<compile_context>
chip_gen: v7x
topology: tpu7x:2x2x1
jax: 0.10.2.dev20260603
libtpu: 0.0.44.dev20260713+nightly
codegen_flags: <defaults>
</compile_context>

<pallas_src>
import functools

import jax
import jax.numpy as jnp
from jax import lax
from jax.experimental import pallas as pl
from jax.experimental.pallas import tpu as pltpu
from jax.experimental.pallas import tpu_sc as plsc

N_USER = 100000
N_ITEM = 100000
D = 64
B = 16384

NC = 2
NS = 16
NW = NC * NS
BPW = B // NW
CH = 128
NCH = BPW // CH


@functools.partial(
    pl.kernel,
    out_type=(
        jax.ShapeDtypeStruct((B,), jnp.float32),
        jax.ShapeDtypeStruct((B,), jnp.float32),
    ),
    mesh=plsc.VectorSubcoreMesh(core_axis_name="c", subcore_axis_name="s"),
    compiler_params=pltpu.CompilerParams(needs_layout_passes=False),
    scratch_types=[
        pltpu.VMEM((BPW,), jnp.int32),
        pltpu.VMEM((BPW,), jnp.int32),
        pltpu.VMEM((BPW,), jnp.int32),
        pltpu.VMEM((CH, 2 * D), jnp.float32),
        pltpu.VMEM((CH, 2 * D), jnp.float32),
        pltpu.VMEM((CH, 2 * D), jnp.float32),
        pltpu.VMEM((BPW,), jnp.float32),
        pltpu.VMEM((BPW,), jnp.float32),
        pltpu.VMEM((16 * 17,), jnp.float32),
        pltpu.VMEM((16 * 17,), jnp.float32),
        pltpu.SemaphoreType.DMA,
        pltpu.SemaphoreType.DMA,
    ],
)
def _mcbpr_sc(u_hbm, i_hbm, j_hbm, eu_hbm, ei_hbm, oi_hbm, oj_hbm,
              u_v, i_v, j_v, ur_v, ir_v, jr_v,
              oi_v, oj_v, pi_v, pj_v, sem, isem):
    wid = lax.axis_index("s") * NC + lax.axis_index("c")
    base = wid * BPW

    idx_copies = [
        pltpu.async_copy(u_hbm.at[pl.ds(base, BPW)], u_v, isem),
        pltpu.async_copy(i_hbm.at[pl.ds(base, BPW)], i_v, isem),
        pltpu.async_copy(j_hbm.at[pl.ds(base, BPW)], j_v, isem),
    ]
    for c in idx_copies:
        c.wait()

    lanes = lax.iota(jnp.int32, 16)
    zero = jnp.zeros((16,), jnp.float32)
    tidx = lanes * 17

    def chunk_body(c, carry):
        cbase = c * CH
        copies = [
            pltpu.async_copy(eu_hbm.at[u_v.at[pl.ds(cbase, CH)]], ur_v, sem),
            pltpu.async_copy(ei_hbm.at[i_v.at[pl.ds(cbase, CH)]], ir_v, sem),
            pltpu.async_copy(ei_hbm.at[j_v.at[pl.ds(cbase, CH)]], jr_v, sem),
        ]
        for cp in copies:
            cp.wait()

        def group_body(g, gcarry):
            for r in range(16):
                row = g * 16 + r
                u0 = ur_v[row, pl.ds(0, 16)]
                u1 = ur_v[row, pl.ds(16, 16)]
                u2 = ur_v[row, pl.ds(32, 16)]
                u3 = ur_v[row, pl.ds(48, 16)]
                pi = (u0 * ir_v[row, pl.ds(0, 16)]
                      + u1 * ir_v[row, pl.ds(16, 16)]
                      + u2 * ir_v[row, pl.ds(32, 16)]
                      + u3 * ir_v[row, pl.ds(48, 16)])
                pj = (u0 * jr_v[row, pl.ds(0, 16)]
                      + u1 * jr_v[row, pl.ds(16, 16)]
                      + u2 * jr_v[row, pl.ds(32, 16)]
                      + u3 * jr_v[row, pl.ds(48, 16)])
                pi_v[pl.ds(r * 17, 16)] = pi
                pj_v[pl.ds(r * 17, 16)] = pj
            ai = zero
            aj = zero
            for col in range(16):
                ai = ai + plsc.load_gather(pi_v, [tidx + col])
                aj = aj + plsc.load_gather(pj_v, [tidx + col])
            gsl = pl.ds(cbase + g * 16, 16)
            oi_v[gsl] = ai
            oj_v[gsl] = aj
            return gcarry

        lax.fori_loop(0, CH // 16, group_body, 0)
        return carry

    lax.fori_loop(0, NCH, chunk_body, 0)

    pltpu.sync_copy(oi_v, oi_hbm.at[pl.ds(base, BPW)])
    pltpu.sync_copy(oj_v, oj_hbm.at[pl.ds(base, BPW)])


def kernel(u, i, j, embed_user, embed_item):
    pad = ((0, 0), (0, D))
    return _mcbpr_sc(u.astype(jnp.int32), i.astype(jnp.int32),
                     j.astype(jnp.int32),
                     jnp.pad(embed_user, pad),
                     jnp.pad(embed_item, pad))

# --- scband reference (transcript-rebuilt; emitter-appended) ---
"""Pipeline reference for scband-mcbpr-31104153157721 (READ-ONLY COPY).

The authoritative reference and input builder live on the scoring server;
editing this copy changes nothing except your own understanding.
"""

import jax, jax.numpy as jnp
import numpy as np

N_USER = 100000
N_ITEM = 100000
D = 64
B = 16384

def setup_inputs(seed: int = 0) -> dict:
    key = jax.random.key(seed)
    k1, k2, k3, k4, k5 = jax.random.split(key, 5)
    u = jax.random.randint(k1, (B,), 0, N_USER, dtype=jnp.int64 if jax.config.jax_enable_x64 else jnp.int32)
    i = jax.random.randint(k2, (B,), 0, N_ITEM, dtype=jnp.int64 if jax.config.jax_enable_x64 else jnp.int32)
    j = jax.random.randint(k3, (B,), 0, N_ITEM, dtype=jnp.int64 if jax.config.jax_enable_x64 else jnp.int32)
    embed_user = jax.random.normal(k4, (N_USER, D), dtype=jnp.float32) * 0.01
    embed_item = jax.random.normal(k5, (N_ITEM, D), dtype=jnp.float32) * 0.01
    return {"u": u, "i": i, "j": j, "embed_user": embed_user, "embed_item": embed_item}

def reference(u, i, j, embed_user, embed_item):
    user = jnp.take(embed_user, u, axis=0)
    item_i = jnp.take(embed_item, i, axis=0)
    item_j = jnp.take(embed_item, j, axis=0)
    prediction_i = (user * item_i).sum(axis=-1)
    prediction_j = (user * item_j).sum(axis=-1)
    return (prediction_i, prediction_j)

if __name__ == "__main__":
    import jax
    _d = setup_inputs()
    print(jax.jit(kernel)(*tuple(_d.values())))

</pallas_src>

<mosaic_0001>
#map = affine_map<(d0, d1) -> (0)>
#map1 = affine_map<(d0, d1) -> (0, 0)>
module attributes {stable_mosaic.version = 14 : i64} {
  func.func @_mcbpr_sc(%arg0: i32, %arg1: i32, %arg2: memref<16384xi32, #tpu.memory_space<hbm>>, %arg3: memref<16384xi32, #tpu.memory_space<hbm>>, %arg4: memref<16384xi32, #tpu.memory_space<hbm>>, %arg5: memref<100000x128xf32, #tpu.memory_space<hbm>>, %arg6: memref<100000x128xf32, #tpu.memory_space<hbm>>, %arg7: memref<16384xf32, #tpu.memory_space<hbm>>, %arg8: memref<16384xf32, #tpu.memory_space<hbm>>, %arg9: memref<512xi32, #tpu.memory_space<vmem>>, %arg10: memref<512xi32, #tpu.memory_space<vmem>>, %arg11: memref<512xi32, #tpu.memory_space<vmem>>, %arg12: memref<128x128xf32, #tpu.memory_space<vmem>>, %arg13: memref<128x128xf32, #tpu.memory_space<vmem>>, %arg14: memref<128x128xf32, #tpu.memory_space<vmem>>, %arg15: memref<512xf32, #tpu.memory_space<vmem>>, %arg16: memref<512xf32, #tpu.memory_space<vmem>>, %arg17: memref<272xf32, #tpu.memory_space<vmem>>, %arg18: memref<272xf32, #tpu.memory_space<vmem>>, %arg19: memref<!tpu.dma_semaphore, #tpu.memory_space<semaphore_mem>>, %arg20: memref<!tpu.dma_semaphore, #tpu.memory_space<semaphore_mem>>) attributes {dimension_semantics = [#tpu.dimension_semantics<core_parallel>, #tpu.dimension_semantics<subcore_parallel>], iteration_bounds = array<i64: 2, 16>, scalar_prefetch = 0 : i64, scratch_operands = 12 : i64, tpu.core_type = #tpu.core_type<sc_vector_subcore>, window_params = [{transform_indices = #map}, {transform_indices = #map}, {transform_indices = #map}, {transform_indices = #map1}, {transform_indices = #map1}, {transform_indices = #map}, {transform_indices = #map}]} {
    %mul3A = arith.constant 2 : i32
    %mul3A_0 = arith.muli %arg1, %mul3A : i32
    %add3A = arith.addi %mul3A_0, %arg0 : i32
    %mul3A_1 = arith.constant 512 : i32
    %mul3A_2 = arith.muli %add3A, %mul3A_1 : i32
    %dma_start3A = tpu.memref_slice %arg2[%mul3A_2] : memref<16384xi32, #tpu.memory_space<hbm>> -> memref<512xi32, #tpu.memory_space<hbm>>
    %dma_start3A_3 = tpu.memref_slice %arg2[%mul3A_2] : memref<16384xi32, #tpu.memory_space<hbm>> -> memref<512xi32, #tpu.memory_space<hbm>>
    tpu.enqueue_dma source(%dma_start3A_3 : memref<512xi32, #tpu.memory_space<hbm>>) target(%arg9 : memref<512xi32, #tpu.memory_space<vmem>>) target_semaphore(%arg20 : memref<!tpu.dma_semaphore, #tpu.memory_space<semaphore_mem>>)
    %dma_start3A_4 = tpu.memref_slice %arg3[%mul3A_2] : memref<16384xi32, #tpu.memory_space<hbm>> -> memref<512xi32, #tpu.memory_space<hbm>>
    %dma_start3A_5 = tpu.memref_slice %arg3[%mul3A_2] : memref<16384xi32, #tpu.memory_space<hbm>> -> memref<512xi32, #tpu.memory_space<hbm>>
    tpu.enqueue_dma source(%dma_start3A_5 : memref<512xi32, #tpu.memory_space<hbm>>) target(%arg10 : memref<512xi32, #tpu.memory_space<vmem>>) target_semaphore(%arg20 : memref<!tpu.dma_semaphore, #tpu.memory_space<semaphore_mem>>)
    %dma_start3A_6 = tpu.memref_slice %arg4[%mul3A_2] : memref<16384xi32, #tpu.memory_space<hbm>> -> memref<512xi32, #tpu.memory_space<hbm>>
    %dma_start3A_7 = tpu.memref_slice %arg4[%mul3A_2] : memref<16384xi32, #tpu.memory_space<hbm>> -> memref<512xi32, #tpu.memory_space<hbm>>
    tpu.enqueue_dma source(%dma_start3A_7 : memref<512xi32, #tpu.memory_space<hbm>>) target(%arg11 : memref<512xi32, #tpu.memory_space<vmem>>) target_semaphore(%arg20 : memref<!tpu.dma_semaphore, #tpu.memory_space<semaphore_mem>>)
    %dma_wait3A = tpu.memref_slice %arg2[%mul3A_2] : memref<16384xi32, #tpu.memory_space<hbm>> -> memref<512xi32, #tpu.memory_space<hbm>>
    %dma_wait3A_8 = tpu.memref_slice %arg2[%mul3A_2] : memref<16384xi32, #tpu.memory_space<hbm>> -> memref<512xi32, #tpu.memory_space<hbm>>
    tpu.wait_dma2 semaphore(%arg20 : memref<!tpu.dma_semaphore, #tpu.memory_space<semaphore_mem>>) src(%dma_wait3A_8 : memref<512xi32, #tpu.memory_space<hbm>>) dst(%arg9 : memref<512xi32, #tpu.memory_space<vmem>>)
    %dma_wait3A_9 = tpu.memref_slice %arg3[%mul3A_2] : memref<16384xi32, #tpu.memory_space<hbm>> -> memref<512xi32, #tpu.memory_space<hbm>>
    %dma_wait3A_10 = tpu.memref_slice %arg3[%mul3A_2] : memref<16384xi32, #tpu.memory_space<hbm>> -> memref<512xi32, #tpu.memory_space<hbm>>
    tpu.wait_dma2 semaphore(%arg20 : memref<!tpu.dma_semaphore, #tpu.memory_space<semaphore_mem>>) src(%dma_wait3A_10 : memref<512xi32, #tpu.memory_space<hbm>>) dst(%arg10 : memref<512xi32, #tpu.memory_space<vmem>>)
    %dma_wait3A_11 = tpu.memref_slice %arg4[%mul3A_2] : memref<16384xi32, #tpu.memory_space<hbm>> -> memref<512xi32, #tpu.memory_space<hbm>>
    %dma_wait3A_12 = tpu.memref_slice %arg4[%mul3A_2] : memref<16384xi32, #tpu.memory_space<hbm>> -> memref<512xi32, #tpu.memory_space<hbm>>
    tpu.wait_dma2 semaphore(%arg20 : memref<!tpu.dma_semaphore, #tpu.memory_space<semaphore_mem>>) src(%dma_wait3A_12 : memref<512xi32, #tpu.memory_space<hbm>>) dst(%arg11 : memref<512xi32, #tpu.memory_space<vmem>>)
    %iota3A = tpu.iota {dimensions = array<i32: 0>} : vector<16xi32>
    %broadcast_in_dim3A = arith.constant 0.000000e+00 : f32
    %broadcast_in_dim3A_13 = vector.broadcast %broadcast_in_dim3A : f32 to vector<16xf32>
    %mul3A_14 = arith.constant 17 : i32
    %mul3A_15 = vector.broadcast %mul3A_14 : i32 to vector<16xi32>
    %mul3A_16 = arith.muli %iota3A, %mul3A_15 : vector<16xi32>
    %scan3A = arith.constant 0 : i32
    %scan3A_17 = arith.constant 0 : i32
    %scan3A_18 = arith.constant 4 : i32
    %scan3A_19 = arith.addi %scan3A_17, %scan3A_18 : i32
    %scan3A_20 = arith.constant 1 : i32
    scf.for %scan3A_22 = %scan3A_17 to %scan3A_19 step %scan3A_20  : i32 {
      %mul3A_23 = arith.constant 128 : i32
      %mul3A_24 = arith.muli %scan3A_22, %mul3A_23 : i32
      %dma_start3A_25 = tpu.memref_slice %arg9[%mul3A_24] : memref<512xi32, #tpu.memory_space<vmem>> -> memref<128xi32, #tpu.memory_space<vmem>>
      %dma_start3A_26 = arith.constant 0 : i32
      %dma_start3A_27 = arith.constant 0 : i32
      %dma_start3A_28 = tpu.memref_slice %arg5[%dma_start3A_26, %dma_start3A_27] : memref<100000x128xf32, #tpu.memory_space<hbm>> -> memref<100000x128xf32, #tpu.memory_space<hbm>>
      tpu.enqueue_indirect_dma source(%dma_start3A_28 : memref<100000x128xf32, #tpu.memory_space<hbm>>) target(%arg12 : memref<128x128xf32, #tpu.memory_space<vmem>>) offsets(%dma_start3A_25 : memref<128xi32, #tpu.memory_space<vmem>>) semaphore(%arg19 : memref<!tpu.dma_semaphore, #tpu.memory_space<semaphore_mem>>)
      %dma_start3A_29 = tpu.memref_slice %arg10[%mul3A_24] : memref<512xi32, #tpu.memory_space<vmem>> -> memref<128xi32, #tpu.memory_space<vmem>>
      %dma_start3A_30 = arith.constant 0 : i32
      %dma_start3A_31 = arith.constant 0 : i32
      %dma_start3A_32 = tpu.memref_slice %arg6[%dma_start3A_30, %dma_start3A_31] : memref<100000x128xf32, #tpu.memory_space<hbm>> -> memref<100000x128xf32, #tpu.memory_space<hbm>>
      tpu.enqueue_indirect_dma source(%dma_start3A_32 : memref<100000x128xf32, #tpu.memory_space<hbm>>) target(%arg13 : memref<128x128xf32, #tpu.memory_space<vmem>>) offsets(%dma_start3A_29 : memref<128xi32, #tpu.memory_space<vmem>>) semaphore(%arg19 : memref<!tpu.dma_semaphore, #tpu.memory_space<semaphore_mem>>)
      %dma_start3A_33 = tpu.memref_slice %arg11[%mul3A_24] : memref<512xi32, #tpu.memory_space<vmem>> -> memref<128xi32, #tpu.memory_space<vmem>>
      %dma_start3A_34 = arith.constant 0 : i32
      %dma_start3A_35 = arith.constant 0 : i32
      %dma_start3A_36 = tpu.memref_slice %arg6[%dma_start3A_34, %dma_start3A_35] : memref<100000x128xf32, #tpu.memory_space<hbm>> -> memref<100000x128xf32, #tpu.memory_space<hbm>>
      tpu.enqueue_indirect_dma source(%dma_start3A_36 : memref<100000x128xf32, #tpu.memory_space<hbm>>) target(%arg14 : memref<128x128xf32, #tpu.memory_space<vmem>>) offsets(%dma_start3A_33 : memref<128xi32, #tpu.memory_space<vmem>>) semaphore(%arg19 : memref<!tpu.dma_semaphore, #tpu.memory_space<semaphore_mem>>)
      %dma_wait3A_37 = tpu.memref_slice %arg9[%mul3A_24] : memref<512xi32, #tpu.memory_space<vmem>> -> memref<128xi32, #tpu.memory_space<vmem>>
      %dma_wait3A_38 = arith.constant 0 : i32
      %dma_wait3A_39 = arith.constant 0 : i32
      %dma_wait3A_40 = tpu.memref_slice %arg5[%dma_wait3A_38, %dma_wait3A_39] : memref<100000x128xf32, #tpu.memory_space<hbm>> -> memref<100000x128xf32, #tpu.memory_space<hbm>>
      tpu.wait_indirect_dma semaphore(%arg19 : memref<!tpu.dma_semaphore, #tpu.memory_space<semaphore_mem>>) src(%dma_wait3A_40 : memref<100000x128xf32, #tpu.memory_space<hbm>>) dst(%arg12 : memref<128x128xf32, #tpu.memory_space<vmem>>)
      %dma_wait3A_41 = tpu.memref_slice %arg10[%mul3A_24] : memref<512xi32, #tpu.memory_space<vmem>> -> memref<128xi32, #tpu.memory_space<vmem>>
      %dma_wait3A_42 = arith.constant 0 : i32
      %dma_wait3A_43 = arith.constant 0 : i32
      %dma_wait3A_44 = tpu.memref_slice %arg6[%dma_wait3A_42, %dma_wait3A_43] : memref<100000x128xf32, #tpu.memory_space<hbm>> -> memref<100000x128xf32, #tpu.memory_space<hbm>>
      tpu.wait_indirect_dma semaphore(%arg19 : memref<!tpu.dma_semaphore, #tpu.memory_space<semaphore_mem>>) src(%dma_wait3A_44 : memref<100000x128xf32, #tpu.memory_space<hbm>>) dst(%arg13 : memref<128x128xf32, #tpu.memory_space<vmem>>)
      %dma_wait3A_45 = tpu.memref_slice %arg11[%mul3A_24] : memref<512xi32, #tpu.memory_space<vmem>> -> memref<128xi32, #tpu.memory_space<vmem>>
      %dma_wait3A_46 = arith.constant 0 : i32
      %dma_wait3A_47 = arith.constant 0 : i32
      %dma_wait3A_48 = tpu.memref_slice %arg6[%dma_wait3A_46, %dma_wait3A_47] : memref<100000x128xf32, #tpu.memory_space<hbm>> -> memref<100000x128xf32, #tpu.memory_space<hbm>>
      tpu.wait_indirect_dma semaphore(%arg19 : memref<!tpu.dma_semaphore, #tpu.memory_space<semaphore_mem>>) src(%dma_wait3A_48 : memref<100000x128xf32, #tpu.memory_space<hbm>>) dst(%arg14 : memref<128x128xf32, #tpu.memory_space<vmem>>)
      %scan3A_49 = arith.constant 0 : i32
      %scan3A_50 = arith.constant 0 : i32
      %scan3A_51 = arith.constant 8 : i32
      %scan3A_52 = arith.addi %scan3A_50, %scan3A_51 : i32
      %scan3A_53 = arith.constant 1 : i32
      scf.for %scan3A_55 = %scan3A_50 to %scan3A_52 step %scan3A_53  : i32 {
        %mul3A_56 = arith.constant 16 : i32
        %mul3A_57 = arith.muli %scan3A_55, %mul3A_56 : i32
        %add3A_58 = arith.constant 0 : i32
        %add3A_59 = arith.addi %mul3A_57, %add3A_58 : i32
        %get3A = arith.index_cast %add3A_59 : i32 to index
        %get3A_60 = arith.constant 0 : index
        %get3A_61 = tpu.vector_load %arg12[%get3A, %get3A_60] {strides = array<i32>} : memref<128x128xf32, #tpu.memory_space<vmem>>, vector<16xf32>,
        %get3A_62 = arith.index_cast %add3A_59 : i32 to index
        %get3A_63 = arith.constant 16 : index
        %get3A_64 = tpu.vector_load %arg12[%get3A_62, %get3A_63] {strides = array<i32>} : memref<128x128xf32, #tpu.memory_space<vmem>>, vector<16xf32>,
        %get3A_65 = arith.index_cast %add3A_59 : i32 to index
        %get3A_66 = arith.constant 32 : index
        %get3A_67 = tpu.vector_load %arg12[%get3A_65, %get3A_66] {strides = array<i32>} : memref<128x128xf32, #tpu.memory_space<vmem>>, vector<16xf32>,
        %get3A_68 = arith.index_cast %add3A_59 : i32 to index
        %get3A_69 = arith.constant 48 : index
        %get3A_70 = tpu.vector_load %arg12[%get3A_68, %get3A_69] {strides = array<i32>} : memref<128x128xf32, #tpu.memory_space<vmem>>, vector<16xf32>,
        %get3A_71 = arith.index_cast %add3A_59 : i32 to index
        %get3A_72 = arith.constant 0 : index
        %get3A_73 = tpu.vector_load %arg13[%get3A_71, %get3A_72] {strides = array<i32>} : memref<128x128xf32, #tpu.memory_space<vmem>>, vector<16xf32>,
        %mul3A_74 = arith.mulf %get3A_61, %get3A_73 : vector<16xf32>
        %get3A_75 = arith.index_cast %add3A_59 : i32 to index
        %get3A_76 = arith.constant 16 : index
        %get3A_77 = tpu.vector_load %arg13[%get3A_75, %get3A_76] {strides = array<i32>} : memref<128x128xf32, #tpu.memory_space<vmem>>, vector<16xf32>,
        %mul3A_78 = arith.mulf %get3A_64, %get3A_77 : vector<16xf32>
        %add3A_79 = arith.addf %mul3A_74, %mul3A_78 : vector<16xf32>
        %get3A_80 = arith.index_cast %add3A_59 : i32 to index
        %get3A_81 = arith.constant 32 : index
        %get3A_82 = tpu.vector_load %arg13[%get3A_80, %get3A_81] {strides = array<i32>} : memref<128x128xf32, #tpu.memory_space<vmem>>, vector<16xf32>,
        %mul3A_83 = arith.mulf %get3A_67, %get3A_82 : vector<16xf32>
        %add3A_84 = arith.addf %add3A_79, %mul3A_83 : vector<16xf32>
        %get3A_85 = arith.index_cast %add3A_59 : i32 to index
        %get3A_86 = arith.constant 48 : index
        %get3A_87 = tpu.vector_load %arg13[%get3A_85, %get3A_86] {strides = array<i32>} : memref<128x128xf32, #tpu.memory_space<vmem>>, vector<16xf32>,
        %mul3A_88 = arith.mulf %get3A_70, %get3A_87 : vector<16xf32>
        %add3A_89 = arith.addf %add3A_84, %mul3A_88 : vector<16xf32>
        %get3A_90 = arith.index_cast %add3A_59 : i32 to index
        %get3A_91 = arith.constant 0 : index
        %get3A_92 = tpu.vector_load %arg14[%get3A_90, %get3A_91] {strides = array<i32>} : memref<128x128xf32, #tpu.memory_space<vmem>>, vector<16xf32>,
        %mul3A_93 = arith.mulf %get3A_61, %get3A_92 : vector<16xf32>
        %get3A_94 = arith.index_cast %add3A_59 : i32 to index
        %get3A_95 = arith.constant 16 : index
        %get3A_96 = tpu.vector_load %arg14[%get3A_94, %get3A_95] {strides = array<i32>} : memref<128x128xf32, #tpu.memory_space<vmem>>, vector<16xf32>,
        %mul3A_97 = arith.mulf %get3A_64, %get3A_96 : vector<16xf32>
        %add3A_98 = arith.addf %mul3A_93, %mul3A_97 : vector<16xf32>
        %get3A_99 = arith.index_cast %add3A_59 : i32 to index
        %get3A_100 = arith.constant 32 : index
        %get3A_101 = tpu.vector_load %arg14[%get3A_99, %get3A_100] {strides = array<i32>} : memref<128x128xf32, #tpu.memory_space<vmem>>, vector<16xf32>,
        %mul3A_102 = arith.mulf %get3A_67, %get3A_101 : vector<16xf32>
        %add3A_103 = arith.addf %add3A_98, %mul3A_102 : vector<16xf32>
        %get3A_104 = arith.index_cast %add3A_59 : i32 to index
        %get3A_105 = arith.constant 48 : index
        %get3A_106 = tpu.vector_load %arg14[%get3A_104, %get3A_105] {strides = array<i32>} : memref<128x128xf32, #tpu.memory_space<vmem>>, vector<16xf32>,
        %mul3A_107 = arith.mulf %get3A_70, %get3A_106 : vector<16xf32>
        %add3A_108 = arith.addf %add3A_103, %mul3A_107 : vector<16xf32>
        %swap3A = arith.constant 0 : index
        %swap3A_109 = tpu.vector_load %arg17[%swap3A] {strides = array<i32>} : memref<272xf32, #tpu.memory_space<vmem>>, vector<16xf32>,
        tpu.vector_store %arg17[%swap3A], %add3A_89 {strides = array<i32>} : memref<272xf32, #tpu.memory_space<vmem>>, vector<16xf32>,
        %swap3A_110 = arith.constant 0 : index
        %swap3A_111 = tpu.vector_load %arg18[%swap3A_110] {strides = array<i32>} : memref<272xf32, #tpu.memory_space<vmem>>, vector<16xf32>,
        tpu.vector_store %arg18[%swap3A_110], %add3A_108 {strides = array<i32>} : memref<272xf32, #tpu.memory_space<vmem>>, vector<16xf32>,
        %mul3A_112 = arith.constant 16 : i32
        %mul3A_113 = arith.muli %scan3A_55, %mul3A_112 : i32
        %add3A_114 = arith.constant 1 : i32
        %add3A_115 = arith.addi %mul3A_113, %add3A_114 : i32
        %get3A_116 = arith.index_cast %add3A_115 : i32 to index
        %get3A_117 = arith.constant 0 : index
        %get3A_118 = tpu.vector_load %arg12[%get3A_116, %get3A_117] {strides = array<i32>} : memref<128x128xf32, #tpu.memory_space<vmem>>, vector<16xf32>,
        %get3A_119 = arith.index_cast %add3A_115 : i32 to index
        %get3A_120 = arith.constant 16 : index
        %get3A_121 = tpu.vector_load %arg12[%get3A_119, %get3A_120] {strides = array<i32>} : memref<128x128xf32, #tpu.memory_space<vmem>>, vector<16xf32>,
        %get3A_122 = arith.index_cast %add3A_115 : i32 to index
        %get3A_123 = arith.constant 32 : index
        %get3A_124 = tpu.vector_load %arg12[%get3A_122, %get3A_123] {strides = array<i32>} : memref<128x128xf32, #tpu.memory_space<vmem>>, vector<16xf32>,
        %get3A_125 = arith.index_cast %add3A_115 : i32 to index
        %get3A_126 = arith.constant 48 : index
        %get3A_127 = tpu.vector_load %arg12[%get3A_125, %get3A_126] {strides = array<i32>} : memref<128x128xf32, #tpu.memory_space<vmem>>, vector<16xf32>,
        %get3A_128 = arith.index_cast %add3A_115 : i32 to index
        %get3A_129 = arith.constant 0 : index
        %get3A_130 = tpu.vector_load %arg13[%get3A_128, %get3A_129] {strides = array<i32>} : memref<128x128xf32, #tpu.memory_space<vmem>>, vector<16xf32>,
        %mul3A_131 = arith.mulf %get3A_118, %get3A_130 : vector<16xf32>
        %get3A_132 = arith.index_cast %add3A_115 : i32 to index
        %get3A_133 = arith.constant 16 : index
        %get3A_134 = tpu.vector_load %arg13[%get3A_132, %get3A_133] {strides = array<i32>} : memref<128x128xf32, #tpu.memory_space<vmem>>, vector<16xf32>,
        %mul3A_135 = arith.mulf %get3A_121, %get3A_134 : vector<16xf32>
        %add3A_136 = arith.addf %mul3A_131, %mul3A_135 : vector<16xf32>
        %get3A_137 = arith.index_cast %add3A_115 : i32 to index
        %get3A_138 = arith.constant 32 : index
        %get3A_139 = tpu.vector_load %arg13[%get3A_137, %get3A_138] {strides = array<i32>} : memref<128x128xf32, #tpu.memory_space<vmem>>, vector<16xf32>,
        %mul3A_140 = arith.mulf %get3A_124, %get3A_139 : vector<16xf32>
        %add3A_141 = arith.addf %add3A_136, %mul3A_140 : vector<16xf32>
        %get3A_142 = arith.index_cast %add3A_115 : i32 to index
        %get3A_143 = arith.constant 48 : index
        %get3A_144 = tpu.vector_load %arg13[%get3A_142, %get3A_143] {strides = array<i32>} : memref<128x128xf32, #tpu.memory_space<vmem>>, vector<16xf32>,
        %mul3A_145 = arith.mulf %get3A_127, %get3A_144 : vector<16xf32>
        %add3A_146 = arith.addf %add3A_141, %mul3A_145 : vector<16xf32>
        %get3A_147 = arith.index_cast %add3A_115 : i32 to index
        %get3A_148 = arith.constant 0 : index
        %get3A_149 = tpu.vector_load %arg14[%get3A_147, %get3A_148] {strides = array<i32>} : memref<128x128xf32, #tpu.memory_space<vmem>>, vector<16xf32>,
        %mul3A_150 = arith.mulf %get3A_118, %get3A_149 : vector<16xf32>
        %get3A_151 = arith.index_cast %add3A_115 : i32 to index
        %get3A_152 = arith.constant 16 : index
        %get3A_153 = tpu.vector_load %arg14[%get3A_151, %get3A_152] {strides = array<i32>} : memref<128x128xf32, #tpu.memory_space<vmem>>, vector<16xf32>,
        %mul3A_154 = arith.mulf %get3A_121, %get3A_153 : vector<16xf32>
        %add3A_155 = arith.addf %mul3A_150, %mul3A_154 : vector<16xf32>
        %get3A_156 = arith.index_cast %add3A_115 : i32 to index
        %get3A_157 = arith.constant 32 : index
        %get3A_158 = tpu.vector_load %arg14[%get3A_156, %get3A_157] {strides = array<i32>} : memref<128x128xf32, #tpu.memory_space<vmem>>, vector<16xf32>,
        %mul3A_159 = arith.mulf %get3A_124, %get3A_158 : vector<16xf32>
        %add3A_160 = arith.addf %add3A_155, %mul3A_159 : vector<16xf32>
        %get3A_161 = arith.index_cast %add3A_115 : i32 to index
        %get3A_162 = arith.constant 48 : index
        %get3A_163 = tpu.vector_load %arg14[%get3A_161, %get3A_162] {strides = array<i32>} : memref<128x128xf32, #tpu.memory_space<vmem>>, vector<16xf32>,
        %mul3A_164 = arith.mulf %get3A_127, %get3A_163 : vector<16xf32>
        %add3A_165 = arith.addf %add3A_160, %mul3A_164 : vector<16xf32>
        %swap3A_166 = arith.constant 17 : index
        %swap3A_167 = tpu.vector_load %arg17[%swap3A_166] {strides = array<i32>} : memref<272xf32, #tpu.memory_space<vmem>>, vector<16xf32>,
        tpu.vector_store %arg17[%swap3A_166], %add3A_146 {strides = array<i32>} : memref<272xf32, #tpu.memory_space<vmem>>, vector<16xf32>,
        %swap3A_168 = arith.constant 17 : index
        %swap3A_169 = tpu.vector_load %arg18[%swap3A_168] {strides = array<i32>} : memref<272xf32, #tpu.memory_space<vmem>>, vector<16xf32>,
        tpu.vector_store %arg18[%swap3A_168], %add3A_165 {strides = array<i32>} : memref<272xf32, #tpu.memory_space<vmem>>, vector<16xf32>,
        %mul3A_170 = arith.constant 16 : i32
        %mul3A_171 = arith.muli %scan3A_55, %mul3A_170 : i32
        %add3A_172 = arith.constant 2 : i32
        %add3A_173 = arith.addi %mul3A_171, %add3A_172 : i32
        %get3A_174 = arith.index_cast %add3A_173 : i32 to index
        %get3A_175 = arith.constant 0 : index
        %get3A_176 = tpu.vector_load %arg12[%get3A_174, %get3A_175] {strides = array<i32>} : memref<128x128xf32, #tpu.memory_space<vmem>>, vector<16xf32>,
        %get3A_177 = arith.index_cast %add3A_173 : i32 to index
        %get3A_178 = arith.constant 16 : index
        %get3A_179 = tpu.vector_load %arg12[%get3A_177, %get3A_178] {strides = array<i32>} : memref<128x128xf32, #tpu.memory_space<vmem>>, vector<16xf32>,
        %get3A_180 = arith.index_cast %add3A_173 : i32 to index
        %get3A_181 = arith.constant 32 : index
        %get3A_182 = tpu.vector_load %arg12[%get3A_180, %get3A_181] {strides = array<i32>} : memref<128x128xf32, #tpu.memory_space<vmem>>, vector<16xf32>,
        %get3A_183 = arith.index_cast %add3A_173 : i32 to index
        %get3A_184 = arith.constant 48 : index
        %get3A_185 = tpu.vector_load %arg12[%get3A_183, %get3A_184] {strides = array<i32>} : memref<128x128xf32, #tpu.memory_space<vmem>>, vector<16xf32>,
        %get3A_186 = arith.index_cast %add3A_173 : i32 to index
        %get3A_187 = arith.constant 0 : index
        %get3A_188 = tpu.vector_load %arg13[%get3A_186, %get3A_187] {strides = array<i32>} : memref<128x128xf32, #tpu.memory_space<vmem>>, vector<16xf32>,
        %mul3A_189 = arith.mulf %get3A_176, %get3A_188 : vector<16xf32>
        %get3A_190 = arith.index_cast %add3A_173 : i32 to index
        %get3A_191 = arith.constant 16 : index
        %get3A_192 = tpu.vector_load %arg13[%get3A_190, %get3A_191] {strides = array<i32>} : memref<128x128xf32, #tpu.memory_space<vmem>>, vector<16xf32>,
        %mul3A_193 = arith.mulf %get3A_179, %get3A_192 : vector<16xf32>
        %add3A_194 = arith.addf %mul3A_189, %mul3A_193 : vector<16xf32>
        %get3A_195 = arith.index_cast %add3A_173 : i32 to index
        %get3A_196 = arith.constant 32 : index
        %get3A_197 = tpu.vector_load %arg13[%get3A_195, %get3A_196] {strides = array<i32>} : memref<128x128xf32, #tpu.memory_space<vmem>>, vector<16xf32>,
        %mul3A_198 = arith.mulf %get3A_182, %get3A_197 : vector<16xf32>
        %add3A_199 = arith.addf %add3A_194, %mul3A_198 : vector<16xf32>
        %get3A_200 = arith.index_cast %add3A_173 : i32 to index
        %get3A_201 = arith.constant 48 : index
        %get3A_202 = tpu.vector_load %arg13[%get3A_200, %get3A_201] {strides = array<i32>} : memref<128x128xf32, #tpu.memory_space<vmem>>, vector<16xf32>,
        %mul3A_203 = arith.mulf %get3A_185, %get3A_202 : vector<16xf32>
        %add3A_204 = arith.addf %add3A_199, %mul3A_203 : vector<16xf32>
        %get3A_205 = arith.index_cast %add3A_173 : i32 to index
        %get3A_206 = arith.constant 0 : index
        %get3A_207 = tpu.vector_load %arg14[%get3A_205, %get3A_206] {strides = array<i32>} : memref<128x128xf32, #tpu.memory_space<vmem>>, vector<16xf32>,
        %mul3A_208 = arith.mulf %get3A_176, %get3A_207 : vector<16xf32>
        %get3A_209 = arith.index_cast %add3A_173 : i32 to index
        %get3A_210 = arith.constant 16 : index
        %get3A_211 = tpu.vector_load %arg14[%get3A_209, %get3A_210] {strides = array<i32>} : memref<128x128xf32, #tpu.memory_space<vmem>>, vector<16xf32>,
        %mul3A_212 = arith.mulf %get3A_179, %get3A_211 : vector<16xf32>
        %add3A_213 = arith.addf %mul3A_208, %mul3A_212 : vector<16xf32>
        %get3A_214 = arith.index_cast %add3A_173 : i32 to index
        %get3A_215 = arith.constant 32 : index
        %get3A_216 = tpu.vector_load %arg14[%get3A_214, %get3A_215] {strides = array<i32>} : memref<128x128xf32, #tpu.memory_space<vmem>>, vector<16xf32>,
        %mul3A_217 = arith.mulf %get3A_182, %get3A_216 : vector<16xf32>
        %add3A_218 = arith.addf %add3A_213, %mul3A_217 : vector<16xf32>
        %get3A_219 = arith.index_cast %add3A_173 : i32 to index
        %get3A_220 = arith.constant 48 : index
        %get3A_221 = tpu.vector_load %arg14[%get3A_219, %get3A_220] {strides = array<i32>} : memref<128x128xf32, #tpu.memory_space<vmem>>, vector<16xf32>,
        %mul3A_222 = arith.mulf %get3A_185, %get3A_221 : vector<16xf32>
        %add3A_223 = arith.addf %add3A_218, %mul3A_222 : vector<16xf32>
        %swap3A_224 = arith.constant 34 : index
        %swap3A_225 = tpu.vector_load %arg17[%swap3A_224] {strides = array<i32>} : memref<272xf32, #tpu.memory_space<vmem>>, vector<16xf32>,
        tpu.vector_store %arg17[%swap3A_224], %add3A_204 {strides = array<i32>} : memref<272xf32, #tpu.memory_space<vmem>>, vector<16xf32>,
        %swap3A_226 = arith.constant 34 : index
        %swap3A_227 = tpu.vector_load %arg18[%swap3A_226] {strides = array<i32>} : memref<272xf32, #tpu.memory_space<vmem>>, vector<16xf32>,
        tpu.vector_store %arg18[%swap3A_226], %add3A_223 {strides = array<i32>} : memref<272xf32, #tpu.memory_space<vmem>>, vector<16xf32>,
        %mul3A_228 = arith.constant 16 : i32
        %mul3A_229 = arith.muli %scan3A_55, %mul3A_228 : i32
        %add3A_230 = arith.constant 3 : i32
        %add3A_231 = arith.addi %mul3A_229, %add3A_230 : i32
        %get3A_232 = arith.index_cast %add3A_231 : i32 to index
        %get3A_233 = arith.constant 0 : index
        %get3A_234 = tpu.vector_load %arg12[%get3A_232, %get3A_233] {strides = array<i32>} : memref<128x128xf32, #tpu.memory_space<vmem>>, vector<16xf32>,
        %get3A_235 = arith.index_cast %add3A_231 : i32 to index
        %get3A_236 = arith.constant 16 : index
        %get3A_237 = tpu.vector_load %arg12[%get3A_235, %get3A_236] {strides = array<i32>} : memref<128x128xf32, #tpu.memory_space<vmem>>, vector<16xf32>,
        %get3A_238 = arith.index_cast %add3A_231 : i32 to index
        %get3A_239 = arith.constant 32 : index
        %get3A_240 = tpu.vector_load %arg12[%get3A_238, %get3A_239] {strides = array<i32>} : memref<128x128xf32, #tpu.memory_space<vmem>>, vector<16xf32>,
        %get3A_241 = arith.index_cast %add3A_231 : i32 to index
        %get3A_242 = arith.constant 48 : index
        %get3A_243 = tpu.vector_load %arg12[%get3A_241, %get3A_242] {strides = array<i32>} : memref<128x128xf32, #tpu.memory_space<vmem>>, vector<16xf32>,
        %get3A_244 = arith.index_cast %add3A_231 : i32 to index
        %get3A_245 = arith.constant 0 : index
        %get3A_246 = tpu.vector_load %arg13[%get3A_244, %get3A_245] {strides = array<i32>} : memref<128x128xf32, #tpu.memory_space<vmem>>, vector<16xf32>,
        %mul3A_247 = arith.mulf %get3A_234, %get3A_246 : vector<16xf32>
        %get3A_248 = arith.index_cast %add3A_231 : i32 to index
        %get3A_249 = arith.constant 16 : index
        %get3A_250 = tpu.vector_load %arg13[%get3A_248, %get3A_249] {strides = array<i32>} : memref<128x128xf32, #tpu.memory_space<vmem>>, vector<16xf32>,
        %mul3A_251 = arith.mulf %get3A_237, %get3A_250 : vector<16xf32>
        %add3A_252 = arith.addf %mul3A_247, %mul3A_251 : vector<16xf32>
        %get3A_253 = arith.index_cast %add3A_231 : i32 to index
        %get3A_254 = arith.constant 32 : index
        %get3A_255 = tpu.vector_load %arg13[%get3A_253, %get3A_254] {strides = array<i32>} : memref<128x128xf32, #tpu.memory_space<vmem>>, vector<16xf32>,
        %mul3A_256 = arith.mulf %get3A_240, %get3A_255 : vector<16xf32>
        %add3A_257 = arith.addf %add3A_252, %mul3A_256 : vector<16xf32>
        %get3A_258 = arith.index_cast %add3A_231 : i32 to index
        %get3A_259 = arith.constant 48 : index
        %get3A_260 = tpu.vector_load %arg13[%get3A_258, %get3A_259] {strides = array<i32>} : memref<128x128xf32, #tpu.memory_space<vmem>>, vector<16xf32>,
        %mul3A_261 = arith.mulf %get3A_243, %get3A_260 : vector<16xf32>
        %add3A_262 = arith.addf %add3A_257, %mul3A_261 : vector<16xf32>
        %get3A_263 = arith.index_cast %add3A_231 : i32 to index
        %get3A_264 = arith.constant 0 : index
        %get3A_265 = tpu.vector_load %arg14[%get3A_263, %get3A_264] {strides = array<i32>} : memref<128x128xf32, #tpu.memory_space<vmem>>, vector<16xf32>,
        %mul3A_266 = arith.mulf %get3A_234, %get3A_265 : vector<16xf32>
        %get3A_267 = arith.index_cast %add3A_231 : i32 to index
        %get3A_268 = arith.constant 16 : index
        %get3A_269 = tpu.vector_load %arg14[%get3A_267, %get3A_268] {strides = array<i32>} : memref<128x128xf32, #tpu.memory_space<vmem>>, vector<16xf32>,
        %mul3A_270 = arith.mulf %get3A_237, %get3A_269 : vector<16xf32>
        %add3A_271 = arith.addf %mul3A_266, %mul3A_270 : vector<16xf32>
        %get3A_272 = arith.index_cast %add3A_231 : i32 to index
        %get3A_273 = arith.constant 32 : index
        %get3A_274 = tpu.vector_load %arg14[%get3A_272, %get3A_273] {strides = array<i32>} : memref<128x128xf32, #tpu.memory_space<vmem>>, vector<16xf32>,
        %mul3A_275 = arith.mulf %get3A_240, %get3A_274 : vector<16xf32>
        %add3A_276 = arith.addf %add3A_271, %mul3A_275 : vector<16xf32>
        %get3A_277 = arith.index_cast %add3A_231 : i32 to index
        %get3A_278 = arith.constant 48 : index
        %get3A_279 = tpu.vector_load %arg14[%get3A_277, %get3A_278] {strides = array<i32>} : memref<128x128xf32, #tpu.memory_space<vmem>>, vector<16xf32>,
        %mul3A_280 = arith.mulf %get3A_243, %get3A_279 : vector<16xf32>
        %add3A_281 = arith.addf %add3A_276, %mul3A_280 : vector<16xf32>
        %swap3A_282 = arith.constant 51 : index
        %swap3A_283 = tpu.vector_load %arg17[%swap3A_282] {strides = array<i32>} : memref<272xf32, #tpu.memory_space<vmem>>, vector<16xf32>,
        tpu.vector_store %arg17[%swap3A_282], %add3A_262 {strides = array<i32>} : memref<272xf32, #tpu.memory_space<vmem>>, vector<16xf32>,
        %swap3A_284 = arith.constant 51 : index
        %swap3A_285 = tpu.vector_load %arg18[%swap3A_284] {strides = array<i32>} : memref<272xf32, #tpu.memory_space<vmem>>, vector<16xf32>,
        tpu.vector_store %arg18[%swap3A_284], %add3A_281 {strides = array<i32>} : memref<272xf32, #tpu.memory_space<vmem>>, vector<16xf32>,
        %mul3A_286 = arith.constant 16 : i32
        %mul3A_287 = arith.muli %scan3A_55, %mul3A_286 : i32
        %add3A_288 = arith.constant 4 : i32
        %add3A_289 = arith.addi %mul3A_287, %add3A_288 : i32
        %get3A_290 = arith.index_cast %add3A_289 : i32 to index
        %get3A_291 = arith.constant 0 : index
        %get3A_292 = tpu.vector_load %arg12[%get3A_290, %get3A_291] {strides = array<i32>} : memref<128x128xf32, #tpu.memory_space<vmem>>, vector<16xf32>,
        %get3A_293 = arith.index_cast %add3A_289 : i32 to index
        %get3A_294 = arith.constant 16 : index
        %get3A_295 = tpu.vector_load %arg12[%get3A_293, %get3A_294] {strides = array<i32>} : memref<128x128xf32, #tpu.memory_space<vmem>>, vector<16xf32>,
        %get3A_296 = arith.index_cast %add3A_289 : i32 to index
        %get3A_297 = arith.constant 32 : index
        %get3A_298 = tpu.vector_load %arg12[%get3A_296, %get3A_297] {strides = array<i32>} : memref<128x128xf32, #tpu.memory_space<vmem>>, vector<16xf32>,
        %get3A_299 = arith.index_cast %add3A_289 : i32 to index
        %get3A_300 = arith.constant 48 : index
        %get3A_301 = tpu.vector_load %arg12[%get3A_299, %get3A_300] {strides = array<i32>} : memref<128x128xf32, #tpu.memory_space<vmem>>, vector<16xf32>,
        %get3A_302 = arith.index_cast %add3A_289 : i32 to index
        %get3A_303 = arith.constant 0 : index
        %get3A_304 = tpu.vector_load %arg13[%get3A_302, %get3A_303] {strides = array<i32>} : memref<128x128xf32, #tpu.memory_space<vmem>>, vector<16xf32>,
        %mul3A_305 = arith.mulf %get3A_292, %get3A_304 : vector<16xf32>
        %get3A_306 = arith.index_cast %add3A_289 : i32 to index
        %get3A_307 = arith.constant 16 : index
        %get3A_308 = tpu.vector_load %arg13[%get3A_306, %get3A_307] {strides = array<i32>} : memref<128x128xf32, #tpu.memory_space<vmem>>, vector<16xf32>,
        %mul3A_309 = arith.mulf %get3A_295, %get3A_308 : vector<16xf32>
        %add3A_310 = arith.addf %mul3A_305, %mul3A_309 : vector<16xf32>
        %get3A_311 = arith.index_cast %add3A_289 : i32 to index
        %get3A_312 = arith.constant 32 : index
        %get3A_313 = tpu.vector_load %arg13[%get3A_311, %get3A_312] {strides = array<i32>} : memref<128x128xf32, #tpu.memory_space<vmem>>, vector<16xf32>,
        %mul3A_314 = arith.mulf %get3A_298, %get3A_313 : vector<16xf32>
        %add3A_315 = arith.addf %add3A_310, %mul3A_314 : vector<16xf32>
        %get3A_316 = arith.index_cast %add3A_289 : i32 to index
        %get3A_317 = arith.constant 48 : index
        %get3A_318 = tpu.vector_load %arg13[%get3A_316, %get3A_317] {strides = array<i32>} : memref<128x128xf32, #tpu.memory_space<vmem>>, vector<16xf32>,
        %mul3A_319 = arith.mulf %get3A_301, %get3A_318 : vector<16xf32>
        %add3A_320 = arith.addf %add3A_315, %mul3A_319 : vector<16xf32>
        %get3A_321 = arith.index_cast %add3A_289 : i32 to index
        %get3A_322 = arith.constant 0 : index
        %get3A_323 = tpu.vector_load %arg14[%get3A_321, %get3A_322] {strides = array<i32>} : memref<128x128xf32, #tpu.memory_space<vmem>>, vector<16xf32>,
        %mul3A_324 = arith.mulf %get3A_292, %get3A_323 : vector<16xf32>
        %get3A_325 = arith.index_cast %add3A_289 : i32 to index
        %get3A_326 = arith.constant 16 : index
        %get3A_327 = tpu.vector_load %arg14[%get3A_325, %get3A_326] {strides = array<i32>} : memref<128x128xf32, #tpu.memory_space<vmem>>, vector<16xf32>,
        %mul3A_328 = arith.mulf %get3A_295, %get3A_327 : vector<16xf32>
        %add3A_329 = arith.addf %mul3A_324, %mul3A_328 : vector<16xf32>
        %get3A_330 = arith.index_cast %add3A_289 : i32 to index
        %get3A_331 = arith.constant 32 : index
        %get3A_332 = tpu.vector_load %arg14[%get3A_330, %get3A_331] {strides = array<i32>} : memref<128x128xf32, #tpu.memory_space<vmem>>, vector<16xf32>,
        %mul3A_333 = arith.mulf %get3A_298, %get3A_332 : vector<16xf32>
        %add3A_334 = arith.addf %add3A_329, %mul3A_333 : vector<16xf32>
        %get3A_335 = arith.index_cast %add3A_289 : i32 to index
        %get3A_336 = arith.constant 48 : index
        %get3A_337 = tpu.vector_load %arg14[%get3A_335, %get3A_336] {strides = array<i32>} : memref<128x128xf32, #tpu.memory_space<vmem>>, vector<16xf32>,
        %mul3A_338 = arith.mulf %get3A_301, %get3A_337 : vector<16xf32>
        %add3A_339 = arith.addf %add3A_334, %mul3A_338 : vector<16xf32>
        %swap3A_340 = arith.constant 68 : index
        %swap3A_341 = tpu.vector_load %arg17[%swap3A_340] {strides = array<i32>} : memref<272xf32, #tpu.memory_space<vmem>>, vector<16xf32>,
        tpu.vector_store %arg17[%swap3A_340], %add3A_320 {strides = array<i32>} : memref<272xf32, #tpu.memory_space<vmem>>, vector<16xf32>,
        %swap3A_342 = arith.constant 68 : index
        %swap3A_343 = tpu.vector_load %arg18[%swap3A_342] {strides = array<i32>} : memref<272xf32, #tpu.memory_space<vmem>>, vector<16xf32>,
        tpu.vector_store %arg18[%swap3A_342], %add3A_339 {strides = array<i32>} : memref<272xf32, #tpu.memory_space<vmem>>, vector<16xf32>,
        %mul3A_344 = arith.constant 16 : i32
        %mul3A_345 = arith.muli %scan3A_55, %mul3A_344 : i32
        %add3A_346 = arith.constant 5 : i32
        %add3A_347 = arith.addi %mul3A_345, %add3A_346 : i32
        %get3A_348 = arith.index_cast %add3A_347 : i32 to index
        %get3A_349 = arith.constant 0 : index
        %get3A_350 = tpu.vector_load %arg12[%get3A_348, %get3A_349] {strides = array<i32>} : memref<128x128xf32, #tpu.memory_space<vmem>>, vector<16xf32>,
        %get3A_351 = arith.index_cast %add3A_347 : i32 to index
        %get3A_352 = arith.constant 16 : index
        %get3A_353 = tpu.vector_load %arg12[%get3A_351, %get3A_352] {strides = array<i32>} : memref<128x128xf32, #tpu.memory_space<vmem>>, vector<16xf32>,
        %get3A_354 = arith.index_cast %add3A_347 : i32 to index
        %get3A_355 = arith.constant 32 : index
        %get3A_356 = tpu.vector_load %arg12[%get3A_354, %get3A_355] {strides = array<i32>} : memref<128x128xf32, #tpu.memory_space<vmem>>, vector<16xf32>,
        %get3A_357 = arith.index_cast %add3A_347 : i32 to index
        %get3A_358 = arith.constant 48 : index
        %get3A_359 = tpu.vector_load %arg12[%get3A_357, %get3A_358] {strides = array<i32>} : memref<128x128xf32, #tpu.memory_space<vmem>>, vector<16xf32>,
        %get3A_360 = arith.index_cast %add3A_347 : i32 to index
        %get3A_361 = arith.constant 0 : index
        %get3A_362 = tpu.vector_load %arg13[%get3A_360, %get3A_361] {strides = array<i32>} : memref<128x128xf32, #tpu.memory_space<vmem>>, vector<16xf32>,
        %mul3A_363 = arith.mulf %get3A_350, %get3A_362 : vector<16xf32>
        %get3A_364 = arith.index_cast %add3A_347 : i32 to index
        %get3A_365 = arith.constant 16 : index
        %get3A_366 = tpu.vector_load %arg13[%get3A_364, %get3A_365] {strides = array<i32>} : memref<128x128xf32, #tpu.memory_space<vmem>>, vector<16xf32>,
        %mul3A_367 = arith.mulf %get3A_353, %get3A_366 : vector<16xf32>
        %add3A_368 = arith.addf %mul3A_363, %mul3A_367 : vector<16xf32>
        %get3A_369 = arith.index_cast %add3A_347 : i32 to index
        %get3A_370 = arith.constant 32 : index
        %get3A_371 = tpu.vector_load %arg13[%get3A_369, %get3A_370] {strides = array<i32>} : memref<128x128xf32, #tpu.memory_space<vmem>>, vector<16xf32>,
        %mul3A_372 = arith.mulf %get3A_356, %get3A_371 : vector<16xf32>
        %add3A_373 = arith.addf %add3A_368, %mul3A_372 : vector<16xf32>
        %get3A_374 = arith.index_cast %add3A_347 : i32 to index
        %get3A_375 = arith.constant 48 : index
        %get3A_376 = tpu.vector_load %arg13[%get3A_374, %get3A_375] {strides = array<i32>} : memref<128x128xf32, #tpu.memory_space<vmem>>, vector<16xf32>,
        %mul3A_377 = arith.mulf %get3A_359, %get3A_376 : vector<16xf32>
        %add3A_378 = arith.addf %add3A_373, %mul3A_377 : vector<16xf32>
        %get3A_379 = arith.index_cast %add3A_347 : i32 to index
        %get3A_380 = arith.constant 0 : index
        %get3A_381 = tpu.vector_load %arg14[%get3A_379, %get3A_380] {strides = array<i32>} : memref<128x128xf32, #tpu.memory_space<vmem>>, vector<16xf32>,
        %mul3A_382 = arith.mulf %get3A_350, %get3A_381 : vector<16xf32>
        %get3A_383 = arith.index_cast %add3A_347 : i32 to index
        %get3A_384 = arith.constant 16 : index
        %get3A_385 = tpu.vector_load %arg14[%get3A_383, %get3A_384] {strides = array<i32>} : memref<128x128xf32, #tpu.memory_space<vmem>>, vector<16xf32>,
        %mul3A_386 = arith.mulf %get3A_353, %get3A_385 : vector<16xf32>
        %add3A_387 = arith.addf %mul3A_382, %mul3A_386 : vector<16xf32>
        %get3A_388 = arith.index_cast %add3A_347 : i32 to index
        %get3A_389 = arith.constant 32 : index
        %get3A_390 = tpu.vector_load %arg14[%get3A_388, %get3A_389] {strides = array<i32>} : memref<128x128xf32, #tpu.memory_space<vmem>>, vector<16xf32>,
        %mul3A_391 = arith.mulf %get3A_356, %get3A_390 : vector<16xf32>
        %add3A_392 = arith.addf %add3A_387, %mul3A_391 : vector<16xf32>
        %get3A_393 = arith.index_cast %add3A_347 : i32 to index
        %get3A_394 = arith.constant 48 : index
        %get3A_395 = tpu.vector_load %arg14[%get3A_393, %get3A_394] {strides = array<i32>} : memref<128x128xf32, #tpu.memory_space<vmem>>, vector<16xf32>,
        %mul3A_396 = arith.mulf %get3A_359, %get3A_395 : vector<16xf32>
        %add3A_397 = arith.addf %add3A_392, %mul3A_396 : vector<16xf32>
        %swap3A_398 = arith.constant 85 : index
        %swap3A_399 = tpu.vector_load %arg17[%swap3A_398] {strides = array<i32>} : memref<272xf32, #tpu.memory_space<vmem>>, vector<16xf32>,
        tpu.vector_store %arg17[%swap3A_398], %add3A_378 {strides = array<i32>} : memref<272xf32, #tpu.memory_space<vmem>>, vector<16xf32>,
        %swap3A_400 = arith.constant 85 : index
        %swap3A_401 = tpu.vector_load %arg18[%swap3A_400] {strides = array<i32>} : memref<272xf32, #tpu.memory_space<vmem>>, vector<16xf32>,
        tpu.vector_store %arg18[%swap3A_400], %add3A_397 {strides = array<i32>} : memref<272xf32, #tpu.memory_space<vmem>>, vector<16xf32>,
        %mul3A_402 = arith.constant 16 : i32
        %mul3A_403 = arith.muli %scan3A_55, %mul3A_402 : i32
        %add3A_404 = arith.constant 6 : i32
        %add3A_405 = arith.addi %mul3A_403, %add3A_404 : i32
        %get3A_406 = arith.index_cast %add3A_405 : i32 to index
        %get3A_407 = arith.constant 0 : index
        %get3A_408 = tpu.vector_load %arg12[%get3A_406, %get3A_407] {strides = array<i32>} : memref<128x128xf32, #tpu.memory_space<vmem>>, vector<16xf32>,
        %get3A_409 = arith.index_cast %add3A_405 : i32 to index
        %get3A_410 = arith.constant 16 : index
        %get3A_411 = tpu.vector_load %arg12[%get3A_409, %get3A_410] {strides = array<i32>} : memref<128x128xf32, #tpu.memory_space<vmem>>, vector<16xf32>,
        %get3A_412 = arith.index_cast %add3A_405 : i32 to index
        %get3A_413 = arith.constant 32 : index
        %get3A_414 = tpu.vector_load %arg12[%get3A_412, %get3A_413] {strides = array<i32>} : memref<128x128xf32, #tpu.memory_space<vmem>>, vector<16xf32>,
        %get3A_415 = arith.index_cast %add3A_405 : i32 to index
        %get3A_416 = arith.constant 48 : index
        %get3A_417 = tpu.vector_load %arg12[%get3A_415, %get3A_416] {strides = array<i32>} : memref<128x128xf32, #tpu.memory_space<vmem>>, vector<16xf32>,
        %get3A_418 = arith.index_cast %add3A_405 : i32 to index
        %get3A_419 = arith.constant 0 : index
        %get3A_420 = tpu.vector_load %arg13[%get3A_418, %get3A_419] {strides = array<i32>} : memref<128x128xf32, #tpu.memory_space<vmem>>, vector<16xf32>,
        %mul3A_421 = arith.mulf %get3A_408, %get3A_420 : vector<16xf32>
        %get3A_422 = arith.index_cast %add3A_405 : i32 to index
        %get3A_423 = arith.constant 16 : index
        %get3A_424 = tpu.vector_load %arg13[%get3A_422, %get3A_423] {strides = array<i32>} : memref<128x128xf32, #tpu.memory_space<vmem>>, vector<16xf32>,
        %mul3A_425 = arith.mulf %get3A_411, %get3A_424 : vector<16xf32>
        %add3A_426 = arith.addf %mul3A_421, %mul3A_425 : vector<16xf32>
        %get3A_427 = arith.index_cast %add3A_405 : i32 to index
        %get3A_428 = arith.constant 32 : index
        %get3A_429 = tpu.vector_load %arg13[%get3A_427, %get3A_428] {strides = array<i32>} : memref<128x128xf32, #tpu.memory_space<vmem>>, vector<16xf32>,
        %mul3A_430 = arith.mulf %get3A_414, %get3A_429 : vector<16xf32>
        %add3A_431 = arith.addf %add3A_426, %mul3A_430 : vector<16xf32>
        %get3A_432 = arith.index_cast %add3A_405 : i32 to index
        %get3A_433 = arith.constant 48 : index
        %get3A_434 = tpu.vector_load %arg13[%get3A_432, %get3A_433] {strides = array<i32>} : memref<128x128xf32, #tpu.memory_space<vmem>>, vector<16xf32>,
        %mul3A_435 = arith.mulf %get3A_417, %get3A_434 : vector<16xf32>
        %add3A_436 = arith.addf %add3A_431, %mul3A_435 : vector<16xf32>
        %get3A_437 = arith.index_cast %add3A_405 : i32 to index
        %get3A_438 = arith.constant 0 : index
        %get3A_439 = tpu.vector_load %arg14[%get3A_437, %get3A_438] {strides = array<i32>} : memref<128x128xf32, #tpu.memory_space<vmem>>, vector<16xf32>,
        %mul3A_440 = arith.mulf %get3A_408, %get3A_439 : vector<16xf32>
        %get3A_441 = arith.index_cast %add3A_405 : i32 to index
        %get3A_442 = arith.constant 16 : index
        %get3A_443 = tpu.vector_load %arg14[%get3A_441, %get3A_442] {strides = array<i32>} : memref<128x128xf32, #tpu.memory_space<vmem>>, vector<16xf32>,
        %mul3A_444 = arith.mulf %get3A_411, %get3A_443 : vector<16xf32>
        %add3A_445 = arith.addf %mul3A_440, %mul3A_444 : vector<16xf32>
        %get3A_446 = arith.index_cast %add3A_405 : i32 to index
        %get3A_447 = arith.constant 32 : index
        %get3A_448 = tpu.vector_load %arg14[%get3A_446, %get3A_447] {strides = array<i32>} : memref<128x128xf32, #tpu.memory_space<vmem>>, vector<16xf32>,
        %mul3A_449 = arith.mulf %get3A_414, %get3A_448 : vector<16xf32>
        %add3A_450 = arith.addf %add3A_445, %mul3A_449 : vector<16xf32>
        %get3A_451 = arith.index_cast %add3A_405 : i32 to index
        %get3A_452 = arith.constant 48 : index
        %get3A_453 = tpu.vector_load %arg14[%get3A_451, %get3A_452] {strides = array<i32>} : memref<128x128xf32, #tpu.memory_space<vmem>>, vector<16xf32>,
        %mul3A_454 = arith.mulf %get3A_417, %get3A_453 : vector<16xf32>
        %add3A_455 = arith.addf %add3A_450, %mul3A_454 : vector<16xf32>
        %swap3A_456 = arith.constant 102 : index
        %swap3A_457 = tpu.vector_load %arg17[%swap3A_456] {strides = array<i32>} : memref<272xf32, #tpu.memory_space<vmem>>, vector<16xf32>,
        tpu.vector_store %arg17[%swap3A_456], %add3A_436 {strides = array<i32>} : memref<272xf32, #tpu.memory_space<vmem>>, vector<16xf32>,
        %swap3A_458 = arith.constant 102 : index
        %swap3A_459 = tpu.vector_load %arg18[%swap3A_458] {strides = array<i32>} : memref<272xf32, #tpu.memory_space<vmem>>, vector<16xf32>,
        tpu.vector_store %arg18[%swap3A_458], %add3A_455 {strides = array<i32>} : memref<272xf32, #tpu.memory_space<vmem>>, vector<16xf32>,
        %mul3A_460 = arith.constant 16 : i32
        %mul3A_461 = arith.muli %scan3A_55, %mul3A_460 : i32
        %add3A_462 = arith.constant 7 : i32
        %add3A_463 = arith.addi %mul3A_461, %add3A_462 : i32
        %get3A_464 = arith.index_cast %add3A_463 : i32 to index
        %get3A_465 = arith.constant 0 : index
        %get3A_466 = tpu.vector_load %arg12[%get3A_464, %get3A_465] {strides = array<i32>} : memref<128x128xf32, #tpu.memory_space<vmem>>, vector<16xf32>,
        %get3A_467 = arith.index_cast %add3A_463 : i32 to index
        %get3A_468 = arith.constant 16 : index
        %get3A_469 = tpu.vector_load %arg12[%get3A_467, %get3A_468] {strides = array<i32>} : memref<128x128xf32, #tpu.memory_space<vmem>>, vector<16xf32>,
        %get3A_470 = arith.index_cast %add3A_463 : i32 to index
        %get3A_471 = arith.constant 32 : index
        %get3A_472 = tpu.vector_load %arg12[%get3A_470, %get3A_471] {strides = array<i32>} : memref<128x128xf32, #tpu.memory_space<vmem>>, vector<16xf32>,
        %get3A_473 = arith.index_cast %add3A_463 : i32 to index
        %get3A_474 = arith.constant 48 : index
        %get3A_475 = tpu.vector_load %arg12[%get3A_473, %get3A_474] {strides = array<i32>} : memref<128x128xf32, #tpu.memory_space<vmem>>, vector<16xf32>,
        %get3A_476 = arith.index_cast %add3A_463 : i32 to index
        %get3A_477 = arith.constant 0 : index
        %get3A_478 = tpu.vector_load %arg13[%get3A_476, %get3A_477] {strides = array<i32>} : memref<128x128xf32, #tpu.memory_space<vmem>>, vector<16xf32>,
        %mul3A_479 = arith.mulf %get3A_466, %get3A_478 : vector<16xf32>
        %get3A_480 = arith.index_cast %add3A_463 : i32 to index
        %get3A_481 = arith.constant 16 : index
        %get3A_482 = tpu.vector_load %arg13[%get3A_480, %get3A_481] {strides = array<i32>} : memref<128x128xf32, #tpu.memory_space<vmem>>, vector<16xf32>,
        %mul3A_483 = arith.mulf %get3A_469, %get3A_482 : vector<16xf32>
        %add3A_484 = arith.addf %mul3A_479, %mul3A_483 : vector<16xf32>
        %get3A_485 = arith.index_cast %add3A_463 : i32 to index
        %get3A_486 = arith.constant 32 : index
        %get3A_487 = tpu.vector_load %arg13[%get3A_485, %get3A_486] {strides = array<i32>} : memref<128x128xf32, #tpu.memory_space<vmem>>, vector<16xf32>,
        %mul3A_488 = arith.mulf %get3A_472, %get3A_487 : vector<16xf32>
        %add3A_489 = arith.addf %add3A_484, %mul3A_488 : vector<16xf32>
        %get3A_490 = arith.index_cast %add3A_463 : i32 to index
        %get3A_491 = arith.constant 48 : index
        %get3A_492 = tpu.vector_load %arg13[%get3A_490, %get3A_491] {strides = array<i32>} : memref<128x128xf32, #tpu.memory_space<vmem>>, vector<16xf32>,
        %mul3A_493 = arith.mulf %get3A_475, %get3A_492 : vector<16xf32>
        %add3A_494 = arith.addf %add3A_489, %mul3A_493 : vector<16xf32>
        %get3A_495 = arith.index_cast %add3A_463 : i32 to index
        %get3A_496 = arith.constant 0 : index
        %get3A_497 = tpu.vector_load %arg14[%get3A_495, %get3A_496] {strides = array<i32>} : memref<128x128xf32, #tpu.memory_space<vmem>>, vector<16xf32>,
        %mul3A_498 = arith.mulf %get3A_466, %get3A_497 : vector<16xf32>
        %get3A_499 = arith.index_cast %add3A_463 : i32 to index
        %get3A_500 = arith.constant 16 : index
        %get3A_501 = tpu.vector_load %arg14[%get3A_499, %get3A_500] {strides = array<i32>} : memref<128x128xf32, #tpu.memory_space<vmem>>, vector<16xf32>,
        %mul3A_502 = arith.mulf %get3A_469, %get3A_501 : vector<16xf32>
        %add3A_503 = arith.addf %mul3A_498, %mul3A_502 : vector<16xf32>
        %get3A_504 = arith.index_cast %add3A_463 : i32 to index
        %get3A_505 = arith.constant 32 : index
        %get3A_506 = tpu.vector_load %arg14[%get3A_504, %get3A_505] {strides = array<i32>} : memref<128x128xf32, #tpu.memory_space<vmem>>, vector<16xf32>,
        %mul3A_507 = arith.mulf %get3A_472, %get3A_506 : vector<16xf32>
        %add3A_508 = arith.addf %add3A_503, %mul3A_507 : vector<16xf32>
        %get3A_509 = arith.index_cast %add3A_463 : i32 to index
        %get3A_510 = arith.constant 48 : index
        %get3A_511 = tpu.vector_load %arg14[%get3A_509, %get3A_510] {strides = array<i32>} : memref<128x128xf32, #tpu.memory_space<vmem>>, vector<16xf32>,
        %mul3A_512 = arith.mulf %get3A_475, %get3A_511 : vector<16xf32>
        %add3A_513 = arith.addf %add3A_508, %mul3A_512 : vector<16xf32>
        %swap3A_514 = arith.constant 119 : index
        %swap3A_515 = tpu.vector_load %arg17[%swap3A_514] {strides = array<i32>} : memref<272xf32, #tpu.memory_space<vmem>>, vector<16xf32>,
        tpu.vector_store %arg17[%swap3A_514], %add3A_494 {strides = array<i32>} : memref<272xf32, #tpu.memory_space<vmem>>, vector<16xf32>,
        %swap3A_516 = arith.constant 119 : index
        %swap3A_517 = tpu.vector_load %arg18[%swap3A_516] {strides = array<i32>} : memref<272xf32, #tpu.memory_space<vmem>>, vector<16xf32>,
        tpu.vector_store %arg18[%swap3A_516], %add3A_513 {strides = array<i32>} : memref<272xf32, #tpu.memory_space<vmem>>, vector<16xf32>,
        %mul3A_518 = arith.constant 16 : i32
        %mul3A_519 = arith.muli %scan3A_55, %mul3A_518 : i32
        %add3A_520 = arith.constant 8 : i32
        %add3A_521 = arith.addi %mul3A_519, %add3A_520 : i32
        %get3A_522 = arith.index_cast %add3A_521 : i32 to index
        %get3A_523 = arith.constant 0 : index
        %get3A_524 = tpu.vector_load %arg12[%get3A_522, %get3A_523] {strides = array<i32>} : memref<128x128xf32, #tpu.memory_space<vmem>>, vector<16xf32>,
        %get3A_525 = arith.index_cast %add3A_521 : i32 to index
        %get3A_526 = arith.constant 16 : index
        %get3A_527 = tpu.vector_load %arg12[%get3A_525, %get3A_526] {strides = array<i32>} : memref<128x128xf32, #tpu.memory_space<vmem>>, vector<16xf32>,
        %get3A_528 = arith.index_cast %add3A_521 : i32 to index
        %get3A_529 = arith.constant 32 : index
        %get3A_530 = tpu.vector_load %arg12[%get3A_528, %get3A_529] {strides = array<i32>} : memref<128x128xf32, #tpu.memory_space<vmem>>, vector<16xf32>,
        %get3A_531 = arith.index_cast %add3A_521 : i32 to index
        %get3A_532 = arith.constant 48 : index
        %get3A_533 = tpu.vector_load %arg12[%get3A_531, %get3A_532] {strides = array<i32>} : memref<128x128xf32, #tpu.memory_space<vmem>>, vector<16xf32>,
        %get3A_534 = arith.index_cast %add3A_521 : i32 to index
        %get3A_535 = arith.constant 0 : index
        %get3A_536 = tpu.vector_load %arg13[%get3A_534, %get3A_535] {strides = array<i32>} : memref<128x128xf32, #tpu.memory_space<vmem>>, vector<16xf32>,
        %mul3A_537 = arith.mulf %get3A_524, %get3A_536 : vector<16xf32>
        %get3A_538 = arith.index_cast %add3A_521 : i32 to index
        %get3A_539 = arith.constant 16 : index
        %get3A_540 = tpu.vector_load %arg13[%get3A_538, %get3A_539] {strides = array<i32>} : memref<128x128xf32, #tpu.memory_space<vmem>>, vector<16xf32>,
        %mul3A_541 = arith.mulf %get3A_527, %get3A_540 : vector<16xf32>
        %add3A_542 = arith.addf %mul3A_537, %mul3A_541 : vector<16xf32>
        %get3A_543 = arith.index_cast %add3A_521 : i32 to index
        %get3A_544 = arith.constant 32 : index
        %get3A_545 = tpu.vector_load %arg13[%get3A_543, %get3A_544] {strides = array<i32>} : memref<128x128xf32, #tpu.memory_space<vmem>>, vector<16xf32>,
        %mul3A_546 = arith.mulf %get3A_530, %get3A_545 : vector<16xf32>
        %add3A_547 = arith.addf %add3A_542, %mul3A_546 : vector<16xf32>
        %get3A_548 = arith.index_cast %add3A_521 : i32 to index
        %get3A_549 = arith.constant 48 : index
        %get3A_550 = tpu.vector_load %arg13[%get3A_548, %get3A_549] {strides = array<i32>} : memref<128x128xf32, #tpu.memory_space<vmem>>, vector<16xf32>,
        %mul3A_551 = arith.mulf %get3A_533, %get3A_550 : vector<16xf32>
        %add3A_552 = arith.addf %add3A_547, %mul3A_551 : vector<16xf32>
        %get3A_553 = arith.index_cast %add3A_521 : i32 to index
        %get3A_554 = arith.constant 0 : index
        %get3A_555 = tpu.vector_load %arg14[%get3A_553, %get3A_554] {strides = array<i32>} : memref<128x128xf32, #tpu.memory_space<vmem>>, vector<16xf32>,
        %mul3A_556 = arith.mulf %get3A_524, %get3A_555 : vector<16xf32>
        %get3A_557 = arith.index_cast %add3A_521 : i32 to index
        %get3A_558 = arith.constant 16 : index
        %get3A_559 = tpu.vector_load %arg14[%get3A_557, %get3A_558] {strides = array<i32>} : memref<128x128xf32, #tpu.memory_space<vmem>>, vector<16xf32>,
        %mul3A_560 = arith.mulf %get3A_527, %get3A_559 : vector<16xf32>
        %add3A_561 = arith.addf %mul3A_556, %mul3A_560 : vector<16xf32>
        %get3A_562 = arith.index_cast %add3A_521 : i32 to index
        %get3A_563 = arith.constant 32 : index
        %get3A_564 = tpu.vector_load %arg14[%get3A_562, %get3A_563] {strides = array<i32>} : memref<128x128xf32, #tpu.memory_space<vmem>>, vector<16xf32>,
        %mul3A_565 = arith.mulf %get3A_530, %get3A_564 : vector<16xf32>
        %add3A_566 = arith.addf %add3A_561, %mul3A_565 : vector<16xf32>
        %get3A_567 = arith.index_cast %add3A_521 : i32 to index
        %get3A_568 = arith.constant 48 : index
        %get3A_569 = tpu.vector_load %arg14[%get3A_567, %get3A_568] {strides = array<i32>} : memref<128x128xf32, #tpu.memory_space<vmem>>, vector<16xf32>,
        %mul3A_570 = arith.mulf %get3A_533, %get3A_569 : vector<16xf32>
        %add3A_571 = arith.addf %add3A_566, %mul3A_570 : vector<16xf32>
        %swap3A_572 = arith.constant 136 : index
        %swap3A_573 = tpu.vector_load %arg17[%swap3A_572] {strides = array<i32>} : memref<272xf32, #tpu.memory_space<vmem>>, vector<16xf32>,
        tpu.vector_store %arg17[%swap3A_572], %add3A_552 {strides = array<i32>} : memref<272xf32, #tpu.memory_space<vmem>>, vector<16xf32>,
        %swap3A_574 = arith.constant 136 : index
        %swap3A_575 = tpu.vector_load %arg18[%swap3A_574] {strides = array<i32>} : memref<272xf32, #tpu.memory_space<vmem>>, vector<16xf32>,
        tpu.vector_store %arg18[%swap3A_574], %add3A_571 {strides = array<i32>} : memref<272xf32, #tpu.memory_space<vmem>>, vector<16xf32>,
        %mul3A_576 = arith.constant 16 : i32
        %mul3A_577 = arith.muli %scan3A_55, %mul3A_576 : i32
        %add3A_578 = arith.constant 9 : i32
        %add3A_579 = arith.addi %mul3A_577, %add3A_578 : i32
        %get3A_580 = arith.index_cast %add3A_579 : i32 to index
        %get3A_581 = arith.constant 0 : index
        %get3A_582 = tpu.vector_load %arg12[%get3A_580, %get3A_581] {strides = array<i32>} : memref<128x128xf32, #tpu.memory_space<vmem>>, vector<16xf32>,
        %get3A_583 = arith.index_cast %add3A_579 : i32 to index
        %get3A_584 = arith.constant 16 : index
        %get3A_585 = tpu.vector_load %arg12[%get3A_583, %get3A_584] {strides = array<i32>} : memref<128x128xf32, #tpu.memory_space<vmem>>, vector<16xf32>,
        %get3A_586 = arith.index_cast %add3A_579 : i32 to index
        %get3A_587 = arith.constant 32 : index
        %get3A_588 = tpu.vector_load %arg12[%get3A_586, %get3A_587] {strides = array<i32>} : memref<128x128xf32, #tpu.memory_space<vmem>>, vector<16xf32>,
        %get3A_589 = arith.index_cast %add3A_579 : i32 to index
        %get3A_590 = arith.constant 48 : index
        %get3A_591 = tpu.vector_load %arg12[%get3A_589, %get3A_590] {strides = array<i32>} : memref<128x128xf32, #tpu.memory_space<vmem>>, vector<16xf32>,
        %get3A_592 = arith.index_cast %add3A_579 : i32 to index
        %get3A_593 = arith.constant 0 : index
        %get3A_594 = tpu.vector_load %arg13[%get3A_592, %get3A_593] {strides = array<i32>} : memref<128x128xf32, #tpu.memory_space<vmem>>, vector<16xf32>,
        %mul3A_595 = arith.mulf %get3A_582, %get3A_594 : vector<16xf32>
        %get3A_596 = arith.index_cast %add3A_579 : i32 to index
        %get3A_597 = arith.constant 16 : index
        %get3A_598 = tpu.vector_load %arg13[%get3A_596, %get3A_597] {strides = array<i32>} : memref<128x128xf32, #tpu.memory_space<vmem>>, vector<16xf32>,
        %mul3A_599 = arith.mulf %get3A_585, %get3A_598 : vector<16xf32>
        %add3A_600 = arith.addf %mul3A_595, %mul3A_599 : vector<16xf32>
        %get3A_601 = arith.index_cast %add3A_579 : i32 to index
        %get3A_602 = arith.constant 32 : index
        %get3A_603 = tpu.vector_load %arg13[%get3A_601, %get3A_602] {strides = array<i32>} : memref<128x128xf32, #tpu.memory_space<vmem>>, vector<16xf32>,
        %mul3A_604 = arith.mulf %get3A_588, %get3A_603 : vector<16xf32>
        %add3A_605 = arith.addf %add3A_600, %mul3A_604 : vector<16xf32>
        %get3A_606 = arith.index_cast %add3A_579 : i32 to index
        %get3A_607 = arith.constant 48 : index
        %get3A_608 = tpu.vector_load %arg13[%get3A_606, %get3A_607] {strides = array<i32>} : memref<128x128xf32, #tpu.memory_space<vmem>>, vector<16xf32>,
        %mul3A_609 = arith.mulf %get3A_591, %get3A_608 : vector<16xf32>
        %add3A_610 = arith.addf %add3A_605, %mul3A_609 : vector<16xf32>
        %get3A_611 = arith.index_cast %add3A_579 : i32 to index
        %get3A_612 = arith.constant 0 : index
        %get3A_613 = tpu.vector_load %arg14[%get3A_611, %get3A_612] {strides = array<i32>} : memref<128x128xf32, #tpu.memory_space<vmem>>, vector<16xf32>,
        %mul3A_614 = arith.mulf %get3A_582, %get3A_613 : vector<16xf32>
        %get3A_615 = arith.index_cast %add3A_579 : i32 to index
        %get3A_616 = arith.constant 16 : index
        %get3A_617 = tpu.vector_load %arg14[%get3A_615, %get3A_616] {strides = array<i32>} : memref<128x128xf32, #tpu.memory_space<vmem>>, vector<16xf32>,
        %mul3A_618 = arith.mulf %get3A_585, %get3A_617 : vector<16xf32>
        %add3A_619 = arith.addf %mul3A_614, %mul3A_618 : vector<16xf32>
        %get3A_620 = arith.index_cast %add3A_579 : i32 to index
        %get3A_621 = arith.constant 32 : index
        %get3A_622 = tpu.vector_load %arg14[%get3A_620, %get3A_621] {strides = array<i32>} : memref<128x128xf32, #tpu.memory_space<vmem>>, vector<16xf32>,
        %mul3A_623 = arith.mulf %get3A_588, %get3A_622 : vector<16xf32>
        %add3A_624 = arith.addf %add3A_619, %mul3A_623 : vector<16xf32>
        %get3A_625 = arith.index_cast %add3A_579 : i32 to index
        %get3A_626 = arith.constant 48 : index
        %get3A_627 = tpu.vector_load %arg14[%get3A_625, %get3A_626] {strides = array<i32>} : memref<128x128xf32, #tpu.memory_space<vmem>>, vector<16xf32>,
        %mul3A_628 = arith.mulf %get3A_591, %get3A_627 : vector<16xf32>
        %add3A_629 = arith.addf %add3A_624, %mul3A_628 : vector<16xf32>
        %swap3A_630 = arith.constant 153 : index
        %swap3A_631 = tpu.vector_load %arg17[%swap3A_630] {strides = array<i32>} : memref<272xf32, #tpu.memory_space<vmem>>, vector<16xf32>,
        tpu.vector_store %arg17[%swap3A_630], %add3A_610 {strides = array<i32>} : memref<272xf32, #tpu.memory_space<vmem>>, vector<16xf32>,
        %swap3A_632 = arith.constant 153 : index
        %swap3A_633 = tpu.vector_load %arg18[%swap3A_632] {strides = array<i32>} : memref<272xf32, #tpu.memory_space<vmem>>, vector<16xf32>,
        tpu.vector_store %arg18[%swap3A_632], %add3A_629 {strides = array<i32>} : memref<272xf32, #tpu.memory_space<vmem>>, vector<16xf32>,
        %mul3A_634 = arith.constant 16 : i32
        %mul3A_635 = arith.muli %scan3A_55, %mul3A_634 : i32
        %add3A_636 = arith.constant 10 : i32
        %add3A_637 = arith.addi %mul3A_635, %add3A_636 : i32
        %get3A_638 = arith.index_cast %add3A_637 : i32 to index
        %get3A_639 = arith.constant 0 : index
        %get3A_640 = tpu.vector_load %arg12[%get3A_638, %get3A_639] {strides = array<i32>} : memref<128x128xf32, #tpu.memory_space<vmem>>, vector<16xf32>,
        %get3A_641 = arith.index_cast %add3A_637 : i32 to index
        %get3A_642 = arith.constant 16 : index
        %get3A_643 = tpu.vector_load %arg12[%get3A_641, %get3A_642] {strides = array<i32>} : memref<128x128xf32, #tpu.memory_space<vmem>>, vector<16xf32>,
        %get3A_644 = arith.index_cast %add3A_637 : i32 to index
        %get3A_645 = arith.constant 32 : index
        %get3A_646 = tpu.vector_load %arg12[%get3A_644, %get3A_645] {strides = array<i32>} : memref<128x128xf32, #tpu.memory_space<vmem>>, vector<16xf32>,
        %get3A_647 = arith.index_cast %add3A_637 : i32 to index
        %get3A_648 = arith.constant 48 : index
        %get3A_649 = tpu.vector_load %arg12[%get3A_647, %get3A_648] {strides = array<i32>} : memref<128x128xf32, #tpu.memory_space<vmem>>, vector<16xf32>,
        %get3A_650 = arith.index_cast %add3A_637 : i32 to index
        %get3A_651 = arith.constant 0 : index
        %get3A_652 = tpu.vector_load %arg13[%get3A_650, %get3A_651] {strides = array<i32>} : memref<128x128xf32, #tpu.memory_space<vmem>>, vector<16xf32>,
        %mul3A_653 = arith.mulf %get3A_640, %get3A_652 : vector<16xf32>
        %get3A_654 = arith.index_cast %add3A_637 : i32 to index
        %get3A_655 = arith.constant 16 : index
        %get3A_656 = tpu.vector_load %arg13[%get3A_654, %get3A_655] {strides = array<i32>} : memref<128x128xf32, #tpu.memory_space<vmem>>, vector<16xf32>,
        %mul3A_657 = arith.mulf %get3A_643, %get3A_656 : vector<16xf32>
        %add3A_658 = arith.addf %mul3A_653, %mul3A_657 : vector<16xf32>
        %get3A_659 = arith.index_cast %add3A_637 : i32 to index
        %get3A_660 = arith.constant 32 : index
        %get3A_661 = tpu.vector_load %arg13[%get3A_659, %get3A_660] {strides = array<i32>} : memref<128x128xf32, #tpu.memory_space<vmem>>, vector<16xf32>,
        %mul3A_662 = arith.mulf %get3A_646, %get3A_661 : vector<16xf32>
        %add3A_663 = arith.addf %add3A_658, %mul3A_662 : vector<16xf32>
        %get3A_664 = arith.index_cast %add3A_637 : i32 to index
        %get3A_665 = arith.constant 48 : index
        %get3A_666 = tpu.vector_load %arg13[%get3A_664, %get3A_665] {strides = array<i32>} : memref<128x128xf32, #tpu.memory_space<vmem>>, vector<16xf32>,
        %mul3A_667 = arith.mulf %get3A_649, %get3A_666 : vector<16xf32>
        %add3A_668 = arith.addf %add3A_663, %mul3A_667 : vector<16xf32>
        %get3A_669 = arith.index_cast %add3A_637 : i32 to index
        %get3A_670 = arith.constant 0 : index
        %get3A_671 = tpu.vector_load %arg14[%get3A_669, %get3A_670] {strides = array<i32>} : memref<128x128xf32, #tpu.memory_space<vmem>>, vector<16xf32>,
        %mul3A_672 = arith.mulf %get3A_640, %get3A_671 : vector<16xf32>
        %get3A_673 = arith.index_cast %add3A_637 : i32 to index
        %get3A_674 = arith.constant 16 : index
        %get3A_675 = tpu.vector_load %arg14[%get3A_673, %get3A_674] {strides = array<i32>} : memref<128x128xf32, #tpu.memory_space<vmem>>, vector<16xf32>,
        %mul3A_676 = arith.mulf %get3A_643, %get3A_675 : vector<16xf32>
        %add3A_677 = arith.addf %mul3A_672, %mul3A_676 : vector<16xf32>
        %get3A_678 = arith.index_cast %add3A_637 : i32 to index
        %get3A_679 = arith.constant 32 : index
        %get3A_680 = tpu.vector_load %arg14[%get3A_678, %get3A_679] {strides = array<i32>} : memref<128x128xf32, #tpu.memory_space<vmem>>, vector<16xf32>,
        %mul3A_681 = arith.mulf %get3A_646, %get3A_680 : vector<16xf32>
        %add3A_682 = arith.addf %add3A_677, %mul3A_681 : vector<16xf32>
        %get3A_683 = arith.index_cast %add3A_637 : i32 to index
        %get3A_684 = arith.constant 48 : index
        %get3A_685 = tpu.vector_load %arg14[%get3A_683, %get3A_684] {strides = array<i32>} : memref<128x128xf32, #tpu.memory_space<vmem>>, vector<16xf32>,
        %mul3A_686 = arith.mulf %get3A_649, %get3A_685 : vector<16xf32>
        %add3A_687 = arith.addf %add3A_682, %mul3A_686 : vector<16xf32>
        %swap3A_688 = arith.constant 170 : index
        %swap3A_689 = tpu.vector_load %arg17[%swap3A_688] {strides = array<i32>} : memref<272xf32, #tpu.memory_space<vmem>>, vector<16xf32>,
        tpu.vector_store %arg17[%swap3A_688], %add3A_668 {strides = array<i32>} : memref<272xf32, #tpu.memory_space<vmem>>, vector<16xf32>,
        %swap3A_690 = arith.constant 170 : index
        %swap3A_691 = tpu.vector_load %arg18[%swap3A_690] {strides = array<i32>} : memref<272xf32, #tpu.memory_space<vmem>>, vector<16xf32>,
        tpu.vector_store %arg18[%swap3A_690], %add3A_687 {strides = array<i32>} : memref<272xf32, #tpu.memory_space<vmem>>, vector<16xf32>,
        %mul3A_692 = arith.constant 16 : i32
        %mul3A_693 = arith.muli %scan3A_55, %mul3A_692 : i32
        %add3A_694 = arith.constant 11 : i32
        %add3A_695 = arith.addi %mul3A_693, %add3A_694 : i32
        %get3A_696 = arith.index_cast %add3A_695 : i32 to index
        %get3A_697 = arith.constant 0 : index
        %get3A_698 = tpu.vector_load %arg12[%get3A_696, %get3A_697] {strides = array<i32>} : memref<128x128xf32, #tpu.memory_space<vmem>>, vector<16xf32>,
        %get3A_699 = arith.index_cast %add3A_695 : i32 to index
        %get3A_700 = arith.constant 16 : index
        %get3A_701 = tpu.vector_load %arg12[%get3A_699, %get3A_700] {strides = array<i32>} : memref<128x128xf32, #tpu.memory_space<vmem>>, vector<16xf32>,
        %get3A_702 = arith.index_cast %add3A_695 : i32 to index
        %get3A_703 = arith.constant 32 : index
        %get3A_704 = tpu.vector_load %arg12[%get3A_702, %get3A_703] {strides = array<i32>} : memref<128x128xf32, #tpu.memory_space<vmem>>, vector<16xf32>,
        %get3A_705 = arith.index_cast %add3A_695 : i32 to index
        %get3A_706 = arith.constant 48 : index
        %get3A_707 = tpu.vector_load %arg12[%get3A_705, %get3A_706] {strides = array<i32>} : memref<128x128xf32, #tpu.memory_space<vmem>>, vector<16xf32>,
        %get3A_708 = arith.index_cast %add3A_695 : i32 to index
        %get3A_709 = arith.constant 0 : index
        %get3A_710 = tpu.vector_load %arg13[%get3A_708, %get3A_709] {strides = array<i32>} : memref<128x128xf32, #tpu.memory_space<vmem>>, vector<16xf32>,
        %mul3A_711 = arith.mulf %get3A_698, %get3A_710 : vector<16xf32>
        %get3A_712 = arith.index_cast %add3A_695 : i32 to index
        %get3A_713 = arith.constant 16 : index
        %get3A_714 = tpu.vector_load %arg13[%get3A_712, %get3A_713] {strides = array<i32>} : memref<128x128xf32, #tpu.memory_space<vmem>>, vector<16xf32>,
        %mul3A_715 = arith.mulf %get3A_701, %get3A_714 : vector<16xf32>
        %add3A_716 = arith.addf %mul3A_711, %mul3A_715 : vector<16xf32>
        %get3A_717 = arith.index_cast %add3A_695 : i32 to index
        %get3A_718 = arith.constant 32 : index
        %get3A_719 = tpu.vector_load %arg13[%get3A_717, %get3A_718] {strides = array<i32>} : memref<128x128xf32, #tpu.memory_space<vmem>>, vector<16xf32>,
        %mul3A_720 = arith.mulf %get3A_704, %get3A_719 : vector<16xf32>
        %add3A_721 = arith.addf %add3A_716, %mul3A_720 : vector<16xf32>
        %get3A_722 = arith.index_cast %add3A_695 : i32 to index
        %get3A_723 = arith.constant 48 : index
        %get3A_724 = tpu.vector_load %arg13[%get3A_722, %get3A_723] {strides = array<i32>} : memref<128x128xf32, #tpu.memory_space<vmem>>, vector<16xf32>,
        %mul3A_725 = arith.mulf %get3A_707, %get3A_724 : vector<16xf32>
        %add3A_726 = arith.addf %add3A_721, %mul3A_725 : vector<16xf32>
        %get3A_727 = arith.index_cast %add3A_695 : i32 to index
        %get3A_728 = arith.constant 0 : index
        %get3A_729 = tpu.vector_load %arg14[%get3A_727, %get3A_728] {strides = array<i32>} : memref<128x128xf32, #tpu.memory_space<vmem>>, vector<16xf32>,
        %mul3A_730 = arith.mulf %get3A_698, %get3A_729 : vector<16xf32>
        %get3A_731 = arith.index_cast %add3A_695 : i32 to index
        %get3A_732 = arith.constant 16 : index
        %get3A_733 = tpu.vector_load %arg14[%get3A_731, %get3A_732] {strides = array<i32>} : memref<128x128xf32, #tpu.memory_space<vmem>>, vector<16xf32>,
        %mul3A_734 = arith.mulf %get3A_701, %get3A_733 : vector<16xf32>
        %add3A_735 = arith.addf %mul3A_730, %mul3A_734 : vector<16xf32>
        %get3A_736 = arith.index_cast %add3A_695 : i32 to index
        %get3A_737 = arith.constant 32 : index
        %get3A_738 = tpu.vector_load %arg14[%get3A_736, %get3A_737] {strides = array<i32>} : memref<128x128xf32, #tpu.memory_space<vmem>>, vector<16xf32>,
        %mul3A_739 = arith.mulf %get3A_704, %get3A_738 : vector<16xf32>
        %add3A_740 = arith.addf %add3A_735, %mul3A_739 : vector<16xf32>
        %get3A_741 = arith.index_cast %add3A_695 : i32 to index
        %get3A_742 = arith.constant 48 : index
        %get3A_743 = tpu.vector_load %arg14[%get3A_741, %get3A_742] {strides = array<i32>} : memref<128x128xf32, #tpu.memory_space<vmem>>, vector<16xf32>,
        %mul3A_744 = arith.mulf %get3A_707, %get3A_743 : vector<16xf32>
        %add3A_745 = arith.addf %add3A_740, %mul3A_744 : vector<16xf32>
        %swap3A_746 = arith.constant 187 : index
        %swap3A_747 = tpu.vector_load %arg17[%swap3A_746] {strides = array<i32>} : memref<272xf32, #tpu.memory_space<vmem>>, vector<16xf32>,
        tpu.vector_store %arg17[%swap3A_746], %add3A_726 {strides = array<i32>} : memref<272xf32, #tpu.memory_space<vmem>>, vector<16xf32>,
        %swap3A_748 = arith.constant 187 : index
        %swap3A_749 = tpu.vector_load %arg18[%swap3A_748] {strides = array<i32>} : memref<272xf32, #tpu.memory_space<vmem>>, vector<16xf32>,
        tpu.vector_store %arg18[%swap3A_748], %add3A_745 {strides = array<i32>} : memref<272xf32, #tpu.memory_space<vmem>>, vector<16xf32>,
        %mul3A_750 = arith.constant 16 : i32
        %mul3A_751 = arith.muli %scan3A_55, %mul3A_750 : i32
        %add3A_752 = arith.constant 12 : i32
        %add3A_753 = arith.addi %mul3A_751, %add3A_752 : i32
        %get3A_754 = arith.index_cast %add3A_753 : i32 to index
        %get3A_755 = arith.constant 0 : index
        %get3A_756 = tpu.vector_load %arg12[%get3A_754, %get3A_755] {strides = array<i32>} : memref<128x128xf32, #tpu.memory_space<vmem>>, vector<16xf32>,
        %get3A_757 = arith.index_cast %add3A_753 : i32 to index
        %get3A_758 = arith.constant 16 : index
        %get3A_759 = tpu.vector_load %arg12[%get3A_757, %get3A_758] {strides = array<i32>} : memref<128x128xf32, #tpu.memory_space<vmem>>, vector<16xf32>,
        %get3A_760 = arith.index_cast %add3A_753 : i32 to index
        %get3A_761 = arith.constant 32 : index
        %get3A_762 = tpu.vector_load %arg12[%get3A_760, %get3A_761] {strides = array<i32>} : memref<128x128xf32, #tpu.memory_space<vmem>>, vector<16xf32>,
        %get3A_763 = arith.index_cast %add3A_753 : i32 to index
        %get3A_764 = arith.constant 48 : index
        %get3A_765 = tpu.vector_load %arg12[%get3A_763, %get3A_764] {strides = array<i32>} : memref<128x128xf32, #tpu.memory_space<vmem>>, vector<16xf32>,
        %get3A_766 = arith.index_cast %add3A_753 : i32 to index
        %get3A_767 = arith.constant 0 : index
        %get3A_768 = tpu.vector_load %arg13[%get3A_766, %get3A_767] {strides = array<i32>} : memref<128x128xf32, #tpu.memory_space<vmem>>, vector<16xf32>,
        %mul3A_769 = arith.mulf %get3A_756, %get3A_768 : vector<16xf32>
        %get3A_770 = arith.index_cast %add3A_753 : i32 to index
        %get3A_771 = arith.constant 16 : index
        %get3A_772 = tpu.vector_load %arg13[%get3A_770, %get3A_771] {strides = array<i32>} : memref<128x128xf32, #tpu.memory_space<vmem>>, vector<16xf32>,
        %mul3A_773 = arith.mulf %get3A_759, %get3A_772 : vector<16xf32>
        %add3A_774 = arith.addf %mul3A_769, %mul3A_773 : vector<16xf32>
        %get3A_775 = arith.index_cast %add3A_753 : i32 to index
        %get3A_776 = arith.constant 32 : index
        %get3A_777 = tpu.vector_load %arg13[%get3A_775, %get3A_776] {strides = array<i32>} : memref<128x128xf32, #tpu.memory_space<vmem>>, vector<16xf32>,
        %mul3A_778 = arith.mulf %get3A_762, %get3A_777 : vector<16xf32>
        %add3A_779 = arith.addf %add3A_774, %mul3A_778 : vector<16xf32>
        %get3A_780 = arith.index_cast %add3A_753 : i32 to index
        %get3A_781 = arith.constant 48 : index
        %get3A_782 = tpu.vector_load %arg13[%get3A_780, %get3A_781] {strides = array<i32>} : memref<128x128xf32, #tpu.memory_space<vmem>>, vector<16xf32>,
        %mul3A_783 = arith.mulf %get3A_765, %get3A_782 : vector<16xf32>
        %add3A_784 = arith.addf %add3A_779, %mul3A_783 : vector<16xf32>
        %get3A_785 = arith.index_cast %add3A_753 : i32 to index
        %get3A_786 = arith.constant 0 : index
        %get3A_787 = tpu.vector_load %arg14[%get3A_785, %get3A_786] {strides = array<i32>} : memref<128x128xf32, #tpu.memory_space<vmem>>, vector<16xf32>,
        %mul3A_788 = arith.mulf %get3A_756, %get3A_787 : vector<16xf32>
        %get3A_789 = arith.index_cast %add3A_753 : i32 to index
        %get3A_790 = arith.constant 16 : index
        %get3A_791 = tpu.vector_load %arg14[%get3A_789, %get3A_790] {strides = array<i32>} : memref<128x128xf32, #tpu.memory_space<vmem>>, vector<16xf32>,
        %mul3A_792 = arith.mulf %get3A_759, %get3A_791 : vector<16xf32>
        %add3A_793 = arith.addf %mul3A_788, %mul3A_792 : vector<16xf32>
        %get3A_794 = arith.index_cast %add3A_753 : i32 to index
        %get3A_795 = arith.constant 32 : index
        %get3A_796 = tpu.vector_load %arg14[%get3A_794, %get3A_795] {strides = array<i32>} : memref<128x128xf32, #tpu.memory_space<vmem>>, vector<16xf32>,
        %mul3A_797 = arith.mulf %get3A_762, %get3A_796 : vector<16xf32>
        %add3A_798 = arith.addf %add3A_793, %mul3A_797 : vector<16xf32>
        %get3A_799 = arith.index_cast %add3A_753 : i32 to index
        %get3A_800 = arith.constant 48 : index
        %get3A_801 = tpu.vector_load %arg14[%get3A_799, %get3A_800] {strides = array<i32>} : memref<128x128xf32, #tpu.memory_space<vmem>>, vector<16xf32>,
        %mul3A_802 = arith.mulf %get3A_765, %get3A_801 : vector<16xf32>
        %add3A_803 = arith.addf %add3A_798, %mul3A_802 : vector<16xf32>
        %swap3A_804 = arith.constant 204 : index
        %swap3A_805 = tpu.vector_load %arg17[%swap3A_804] {strides = array<i32>} : memref<272xf32, #tpu.memory_space<vmem>>, vector<16xf32>,
        tpu.vector_store %arg17[%swap3A_804], %add3A_784 {strides = array<i32>} : memref<272xf32, #tpu.memory_space<vmem>>, vector<16xf32>,
        %swap3A_806 = arith.constant 204 : index
        %swap3A_807 = tpu.vector_load %arg18[%swap3A_806] {strides = array<i32>} : memref<272xf32, #tpu.memory_space<vmem>>, vector<16xf32>,
        tpu.vector_store %arg18[%swap3A_806], %add3A_803 {strides = array<i32>} : memref<272xf32, #tpu.memory_space<vmem>>, vector<16xf32>,
        %mul3A_808 = arith.constant 16 : i32
        %mul3A_809 = arith.muli %scan3A_55, %mul3A_808 : i32
        %add3A_810 = arith.constant 13 : i32
        %add3A_811 = arith.addi %mul3A_809, %add3A_810 : i32
        %get3A_812 = arith.index_cast %add3A_811 : i32 to index
        %get3A_813 = arith.constant 0 : index
        %get3A_814 = tpu.vector_load %arg12[%get3A_812, %get3A_813] {strides = array<i32>} : memref<128x128xf32, #tpu.memory_space<vmem>>, vector<16xf32>,
        %get3A_815 = arith.index_cast %add3A_811 : i32 to index
        %get3A_816 = arith.constant 16 : index
        %get3A_817 = tpu.vector_load %arg12[%get3A_815, %get3A_816] {strides = array<i32>} : memref<128x128xf32, #tpu.memory_space<vmem>>, vector<16xf32>,
        %get3A_818 = arith.index_cast %add3A_811 : i32 to index
        %get3A_819 = arith.constant 32 : index
        %get3A_820 = tpu.vector_load %arg12[%get3A_818, %get3A_819] {strides = array<i32>} : memref<128x128xf32, #tpu.memory_space<vmem>>, vector<16xf32>,
        %get3A_821 = arith.index_cast %add3A_811 : i32 to index
        %get3A_822 = arith.constant 48 : index
        %get3A_823 = tpu.vector_load %arg12[%get3A_821, %get3A_822] {strides = array<i32>} : memref<128x128xf32, #tpu.memory_space<vmem>>, vector<16xf32>,
        %get3A_824 = arith.index_cast %add3A_811 : i32 to index
        %get3A_825 = arith.constant 0 : index
        %get3A_826 = tpu.vector_load %arg13[%get3A_824, %get3A_825] {strides = array<i32>} : memref<128x128xf32, #tpu.memory_space<vmem>>, vector<16xf32>,
        %mul3A_827 = arith.mulf %get3A_814, %get3A_826 : vector<16xf32>
        %get3A_828 = arith.index_cast %add3A_811 : i32 to index
        %get3A_829 = arith.constant 16 : index
        %get3A_830 = tpu.vector_load %arg13[%get3A_828, %get3A_829] {strides = array<i32>} : memref<128x128xf32, #tpu.memory_space<vmem>>, vector<16xf32>,
        %mul3A_831 = arith.mulf %get3A_817, %get3A_830 : vector<16xf32>
        %add3A_832 = arith.addf %mul3A_827, %mul3A_831 : vector<16xf32>
        %get3A_833 = arith.index_cast %add3A_811 : i32 to index
        %get3A_834 = arith.constant 32 : index
        %get3A_835 = tpu.vector_load %arg13[%get3A_833, %get3A_834] {strides = array<i32>} : memref<128x128xf32, #tpu.memory_space<vmem>>, vector<16xf32>,
        %mul3A_836 = arith.mulf %get3A_820, %get3A_835 : vector<16xf32>
        %add3A_837 = arith.addf %add3A_832, %mul3A_836 : vector<16xf32>
        %get3A_838 = arith.index_cast %add3A_811 : i32 to index
        %get3A_839 = arith.constant 48 : index
        %get3A_840 = tpu.vector_load %arg13[%get3A_838, %get3A_839] {strides = array<i32>} : memref<128x128xf32, #tpu.memory_space<vmem>>, vector<16xf32>,
        %mul3A_841 = arith.mulf %get3A_823, %get3A_840 : vector<16xf32>
        %add3A_842 = arith.addf %add3A_837, %mul3A_841 : vector<16xf32>
        %get3A_843 = arith.index_cast %add3A_811 : i32 to index
        %get3A_844 = arith.constant 0 : index
        %get3A_845 = tpu.vector_load %arg14[%get3A_843, %get3A_844] {strides = array<i32>} : memref<128x128xf32, #tpu.memory_space<vmem>>, vector<16xf32>,
        %mul3A_846 = arith.mulf %get3A_814, %get3A_845 : vector<16xf32>
        %get3A_847 = arith.index_cast %add3A_811 : i32 to index
        %get3A_848 = arith.constant 16 : index
        %get3A_849 = tpu.vector_load %arg14[%get3A_847, %get3A_848] {strides = array<i32>} : memref<128x128xf32, #tpu.memory_space<vmem>>, vector<16xf32>,
        %mul3A_850 = arith.mulf %get3A_817, %get3A_849 : vector<16xf32>
        %add3A_851 = arith.addf %mul3A_846, %mul3A_850 : vector<16xf32>
        %get3A_852 = arith.index_cast %add3A_811 : i32 to index
        %get3A_853 = arith.constant 32 : index
        %get3A_854 = tpu.vector_load %arg14[%get3A_852, %get3A_853] {strides = array<i32>} : memref<128x128xf32, #tpu.memory_space<vmem>>, vector<16xf32>,
        %mul3A_855 = arith.mulf %get3A_820, %get3A_854 : vector<16xf32>
        %add3A_856 = arith.addf %add3A_851, %mul3A_855 : vector<16xf32>
        %get3A_857 = arith.index_cast %add3A_811 : i32 to index
        %get3A_858 = arith.constant 48 : index
        %get3A_859 = tpu.vector_load %arg14[%get3A_857, %get3A_858] {strides = array<i32>} : memref<128x128xf32, #tpu.memory_space<vmem>>, vector<16xf32>,
        %mul3A_860 = arith.mulf %get3A_823, %get3A_859 : vector<16xf32>
        %add3A_861 = arith.addf %add3A_856, %mul3A_860 : vector<16xf32>
        %swap3A_862 = arith.constant 221 : index
        %swap3A_863 = tpu.vector_load %arg17[%swap3A_862] {strides = array<i32>} : memref<272xf32, #tpu.memory_space<vmem>>, vector<16xf32>,
        tpu.vector_store %arg17[%swap3A_862], %add3A_842 {strides = array<i32>} : memref<272xf32, #tpu.memory_space<vmem>>, vector<16xf32>,
        %swap3A_864 = arith.constant 221 : index
        %swap3A_865 = tpu.vector_load %arg18[%swap3A_864] {strides = array<i32>} : memref<272xf32, #tpu.memory_space<vmem>>, vector<16xf32>,
        tpu.vector_store %arg18[%swap3A_864], %add3A_861 {strides = array<i32>} : memref<272xf32, #tpu.memory_space<vmem>>, vector<16xf32>,
        %mul3A_866 = arith.constant 16 : i32
        %mul3A_867 = arith.muli %scan3A_55, %mul3A_866 : i32
        %add3A_868 = arith.constant 14 : i32
        %add3A_869 = arith.addi %mul3A_867, %add3A_868 : i32
        %get3A_870 = arith.index_cast %add3A_869 : i32 to index
        %get3A_871 = arith.constant 0 : index
        %get3A_872 = tpu.vector_load %arg12[%get3A_870, %get3A_871] {strides = array<i32>} : memref<128x128xf32, #tpu.memory_space<vmem>>, vector<16xf32>,
        %get3A_873 = arith.index_cast %add3A_869 : i32 to index
        %get3A_874 = arith.constant 16 : index
        %get3A_875 = tpu.vector_load %arg12[%get3A_873, %get3A_874] {strides = array<i32>} : memref<128x128xf32, #tpu.memory_space<vmem>>, vector<16xf32>,
        %get3A_876 = arith.index_cast %add3A_869 : i32 to index
        %get3A_877 = arith.constant 32 : index
        %get3A_878 = tpu.vector_load %arg12[%get3A_876, %get3A_877] {strides = array<i32>} : memref<128x128xf32, #tpu.memory_space<vmem>>, vector<16xf32>,
        %get3A_879 = arith.index_cast %add3A_869 : i32 to index
        %get3A_880 = arith.constant 48 : index
        %get3A_881 = tpu.vector_load %arg12[%get3A_879, %get3A_880] {strides = array<i32>} : memref<128x128xf32, #tpu.memory_space<vmem>>, vector<16xf32>,
        %get3A_882 = arith.index_cast %add3A_869 : i32 to index
        %get3A_883 = arith.constant 0 : index
        %get3A_884 = tpu.vector_load %arg13[%get3A_882, %get3A_883] {strides = array<i32>} : memref<128x128xf32, #tpu.memory_space<vmem>>, vector<16xf32>,
        %mul3A_885 = arith.mulf %get3A_872, %get3A_884 : vector<16xf32>
        %get3A_886 = arith.index_cast %add3A_869 : i32 to index
        %get3A_887 = arith.constant 16 : index
        %get3A_888 = tpu.vector_load %arg13[%get3A_886, %get3A_887] {strides = array<i32>} : memref<128x128xf32, #tpu.memory_space<vmem>>, vector<16xf32>,
        %mul3A_889 = arith.mulf %get3A_875, %get3A_888 : vector<16xf32>
        %add3A_890 = arith.addf %mul3A_885, %mul3A_889 : vector<16xf32>
        %get3A_891 = arith.index_cast %add3A_869 : i32 to index
        %get3A_892 = arith.constant 32 : index
        %get3A_893 = tpu.vector_load %arg13[%get3A_891, %get3A_892] {strides = array<i32>} : memref<128x128xf32, #tpu.memory_space<vmem>>, vector<16xf32>,
        %mul3A_894 = arith.mulf %get3A_878, %get3A_893 : vector<16xf32>
        %add3A_895 = arith.addf %add3A_890, %mul3A_894 : vector<16xf32>
        %get3A_896 = arith.index_cast %add3A_869 : i32 to index
        %get3A_897 = arith.constant 48 : index
        %get3A_898 = tpu.vector_load %arg13[%get3A_896, %get3A_897] {strides = array<i32>} : memref<128x128xf32, #tpu.memory_space<vmem>>, vector<16xf32>,
        %mul3A_899 = arith.mulf %get3A_881, %get3A_898 : vector<16xf32>
        %add3A_900 = arith.addf %add3A_895, %mul3A_899 : vector<16xf32>
        %get3A_901 = arith.index_cast %add3A_869 : i32 to index
        %get3A_902 = arith.constant 0 : index
        %get3A_903 = tpu.vector_load %arg14[%get3A_901, %get3A_902] {strides = array<i32>} : memref<128x128xf32, #tpu.memory_space<vmem>>, vector<16xf32>,
        %mul3A_904 = arith.mulf %get3A_872, %get3A_903 : vector<16xf32>
        %get3A_905 = arith.index_cast %add3A_869 : i32 to index
        %get3A_906 = arith.constant 16 : index
        %get3A_907 = tpu.vector_load %arg14[%get3A_905, %get3A_906] {strides = array<i32>} : memref<128x128xf32, #tpu.memory_space<vmem>>, vector<16xf32>,
        %mul3A_908 = arith.mulf %get3A_875, %get3A_907 : vector<16xf32>
        %add3A_909 = arith.addf %mul3A_904, %mul3A_908 : vector<16xf32>
        %get3A_910 = arith.index_cast %add3A_869 : i32 to index
        %get3A_911 = arith.constant 32 : index
        %get3A_912 = tpu.vector_load %arg14[%get3A_910, %get3A_911] {strides = array<i32>} : memref<128x128xf32, #tpu.memory_space<vmem>>, vector<16xf32>,
        %mul3A_913 = arith.mulf %get3A_878, %get3A_912 : vector<16xf32>
        %add3A_914 = arith.addf %add3A_909, %mul3A_913 : vector<16xf32>
        %get3A_915 = arith.index_cast %add3A_869 : i32 to index
        %get3A_916 = arith.constant 48 : index
        %get3A_917 = tpu.vector_load %arg14[%get3A_915, %get3A_916] {strides = array<i32>} : memref<128x128xf32, #tpu.memory_space<vmem>>, vector<16xf32>,
        %mul3A_918 = arith.mulf %get3A_881, %get3A_917 : vector<16xf32>
        %add3A_919 = arith.addf %add3A_914, %mul3A_918 : vector<16xf32>
        %swap3A_920 = arith.constant 238 : index
        %swap3A_921 = tpu.vector_load %arg17[%swap3A_920] {strides = array<i32>} : memref<272xf32, #tpu.memory_space<vmem>>, vector<16xf32>,
        tpu.vector_store %arg17[%swap3A_920], %add3A_900 {strides = array<i32>} : memref<272xf32, #tpu.memory_space<vmem>>, vector<16xf32>,
        %swap3A_922 = arith.constant 238 : index
        %swap3A_923 = tpu.vector_load %arg18[%swap3A_922] {strides = array<i32>} : memref<272xf32, #tpu.memory_space<vmem>>, vector<16xf32>,
        tpu.vector_store %arg18[%swap3A_922], %add3A_919 {strides = array<i32>} : memref<272xf32, #tpu.memory_space<vmem>>, vector<16xf32>,
        %mul3A_924 = arith.constant 16 : i32
        %mul3A_925 = arith.muli %scan3A_55, %mul3A_924 : i32
        %add3A_926 = arith.constant 15 : i32
        %add3A_927 = arith.addi %mul3A_925, %add3A_926 : i32
        %get3A_928 = arith.index_cast %add3A_927 : i32 to index
        %get3A_929 = arith.constant 0 : index
        %get3A_930 = tpu.vector_load %arg12[%get3A_928, %get3A_929] {strides = array<i32>} : memref<128x128xf32, #tpu.memory_space<vmem>>, vector<16xf32>,
        %get3A_931 = arith.index_cast %add3A_927 : i32 to index
        %get3A_932 = arith.constant 16 : index
        %get3A_933 = tpu.vector_load %arg12[%get3A_931, %get3A_932] {strides = array<i32>} : memref<128x128xf32, #tpu.memory_space<vmem>>, vector<16xf32>,
        %get3A_934 = arith.index_cast %add3A_927 : i32 to index
        %get3A_935 = arith.constant 32 : index
        %get3A_936 = tpu.vector_load %arg12[%get3A_934, %get3A_935] {strides = array<i32>} : memref<128x128xf32, #tpu.memory_space<vmem>>, vector<16xf32>,
        %get3A_937 = arith.index_cast %add3A_927 : i32 to index
        %get3A_938 = arith.constant 48 : index
        %get3A_939 = tpu.vector_load %arg12[%get3A_937, %get3A_938] {strides = array<i32>} : memref<128x128xf32, #tpu.memory_space<vmem>>, vector<16xf32>,
        %get3A_940 = arith.index_cast %add3A_927 : i32 to index
        %get3A_941 = arith.constant 0 : index
        %get3A_942 = tpu.vector_load %arg13[%get3A_940, %get3A_941] {strides = array<i32>} : memref<128x128xf32, #tpu.memory_space<vmem>>, vector<16xf32>,
        %mul3A_943 = arith.mulf %get3A_930, %get3A_942 : vector<16xf32>
        %get3A_944 = arith.index_cast %add3A_927 : i32 to index
        %get3A_945 = arith.constant 16 : index
        %get3A_946 = tpu.vector_load %arg13[%get3A_944, %get3A_945] {strides = array<i32>} : memref<128x128xf32, #tpu.memory_space<vmem>>, vector<16xf32>,
        %mul3A_947 = arith.mulf %get3A_933, %get3A_946 : vector<16xf32>
        %add3A_948 = arith.addf %mul3A_943, %mul3A_947 : vector<16xf32>
        %get3A_949 = arith.index_cast %add3A_927 : i32 to index
        %get3A_950 = arith.constant 32 : index
        %get3A_951 = tpu.vector_load %arg13[%get3A_949, %get3A_950] {strides = array<i32>} : memref<128x128xf32, #tpu.memory_space<vmem>>, vector<16xf32>,
        %mul3A_952 = arith.mulf %get3A_936, %get3A_951 : vector<16xf32>
        %add3A_953 = arith.addf %add3A_948, %mul3A_952 : vector<16xf32>
        %get3A_954 = arith.index_cast %add3A_927 : i32 to index
        %get3A_955 = arith.constant 48 : index
        %get3A_956 = tpu.vector_load %arg13[%get3A_954, %get3A_955] {strides = array<i32>} : memref<128x128xf32, #tpu.memory_space<vmem>>, vector<16xf32>,
        %mul3A_957 = arith.mulf %get3A_939, %get3A_956 : vector<16xf32>
        %add3A_958 = arith.addf %add3A_953, %mul3A_957 : vector<16xf32>
        %get3A_959 = arith.index_cast %add3A_927 : i32 to index
        %get3A_960 = arith.constant 0 : index
        %get3A_961 = tpu.vector_load %arg14[%get3A_959, %get3A_960] {strides = array<i32>} : memref<128x128xf32, #tpu.memory_space<vmem>>, vector<16xf32>,
        %mul3A_962 = arith.mulf %get3A_930, %get3A_961 : vector<16xf32>
        %get3A_963 = arith.index_cast %add3A_927 : i32 to index
        %get3A_964 = arith.constant 16 : index
        %get3A_965 = tpu.vector_load %arg14[%get3A_963, %get3A_964] {strides = array<i32>} : memref<128x128xf32, #tpu.memory_space<vmem>>, vector<16xf32>,
        %mul3A_966 = arith.mulf %get3A_933, %get3A_965 : vector<16xf32>
        %add3A_967 = arith.addf %mul3A_962, %mul3A_966 : vector<16xf32>
        %get3A_968 = arith.index_cast %add3A_927 : i32 to index
        %get3A_969 = arith.constant 32 : index
        %get3A_970 = tpu.vector_load %arg14[%get3A_968, %get3A_969] {strides = array<i32>} : memref<128x128xf32, #tpu.memory_space<vmem>>, vector<16xf32>,
        %mul3A_971 = arith.mulf %get3A_936, %get3A_970 : vector<16xf32>
        %add3A_972 = arith.addf %add3A_967, %mul3A_971 : vector<16xf32>
        %get3A_973 = arith.index_cast %add3A_927 : i32 to index
        %get3A_974 = arith.constant 48 : index
        %get3A_975 = tpu.vector_load %arg14[%get3A_973, %get3A_974] {strides = array<i32>} : memref<128x128xf32, #tpu.memory_space<vmem>>, vector<16xf32>,
        %mul3A_976 = arith.mulf %get3A_939, %get3A_975 : vector<16xf32>
        %add3A_977 = arith.addf %add3A_972, %mul3A_976 : vector<16xf32>
        %swap3A_978 = arith.constant 255 : index
        %swap3A_979 = tpu.vector_load %arg17[%swap3A_978] {strides = array<i32>} : memref<272xf32, #tpu.memory_space<vmem>>, vector<16xf32>,
        tpu.vector_store %arg17[%swap3A_978], %add3A_958 {strides = array<i32>} : memref<272xf32, #tpu.memory_space<vmem>>, vector<16xf32>,
        %swap3A_980 = arith.constant 255 : index
        %swap3A_981 = tpu.vector_load %arg18[%swap3A_980] {strides = array<i32>} : memref<272xf32, #tpu.memory_space<vmem>>, vector<16xf32>,
        tpu.vector_store %arg18[%swap3A_980], %add3A_977 {strides = array<i32>} : memref<272xf32, #tpu.memory_space<vmem>>, vector<16xf32>,
        %add3A_982 = arith.constant 0 : i32
        %add3A_983 = vector.broadcast %add3A_982 : i32 to vector<16xi32>
        %add3A_984 = arith.addi %mul3A_16, %add3A_983 : vector<16xi32>
        %gather3A = tpu.vector_load_idx %arg17[%add3A_984] : memref<272xf32, #tpu.memory_space<vmem>>[vector<16xi32>], vector<16xf32>,
        %add3A_985 = arith.addf %broadcast_in_dim3A_13, %gather3A : vector<16xf32>
        %add3A_986 = arith.constant 0 : i32
        %add3A_987 = vector.broadcast %add3A_986 : i32 to vector<16xi32>
        %add3A_988 = arith.addi %mul3A_16, %add3A_987 : vector<16xi32>
        %gather3A_989 = tpu.vector_load_idx %arg18[%add3A_988] : memref<272xf32, #tpu.memory_space<vmem>>[vector<16xi32>], vector<16xf32>,
        %add3A_990 = arith.addf %broadcast_in_dim3A_13, %gather3A_989 : vector<16xf32>
        %add3A_991 = arith.constant 1 : i32
        %add3A_992 = vector.broadcast %add3A_991 : i32 to vector<16xi32>
        %add3A_993 = arith.addi %mul3A_16, %add3A_992 : vector<16xi32>
        %gather3A_994 = tpu.vector_load_idx %arg17[%add3A_993] : memref<272xf32, #tpu.memory_space<vmem>>[vector<16xi32>], vector<16xf32>,
        %add3A_995 = arith.addf %add3A_985, %gather3A_994 : vector<16xf32>
        %add3A_996 = arith.constant 1 : i32
        %add3A_997 = vector.broadcast %add3A_996 : i32 to vector<16xi32>
        %add3A_998 = arith.addi %mul3A_16, %add3A_997 : vector<16xi32>
        %gather3A_999 = tpu.vector_load_idx %arg18[%add3A_998] : memref<272xf32, #tpu.memory_space<vmem>>[vector<16xi32>], vector<16xf32>,
        %add3A_1000 = arith.addf %add3A_990, %gather3A_999 : vector<16xf32>
        %add3A_1001 = arith.constant 2 : i32
        %add3A_1002 = vector.broadcast %add3A_1001 : i32 to vector<16xi32>
        %add3A_1003 = arith.addi %mul3A_16, %add3A_1002 : vector<16xi32>
        %gather3A_1004 = tpu.vector_load_idx %arg17[%add3A_1003] : memref<272xf32, #tpu.memory_space<vmem>>[vector<16xi32>], vector<16xf32>,
        %add3A_1005 = arith.addf %add3A_995, %gather3A_1004 : vector<16xf32>
        %add3A_1006 = arith.constant 2 : i32
        %add3A_1007 = vector.broadcast %add3A_1006 : i32 to vector<16xi32>
        %add3A_1008 = arith.addi %mul3A_16, %add3A_1007 : vector<16xi32>
        %gather3A_1009 = tpu.vector_load_idx %arg18[%add3A_1008] : memref<272xf32, #tpu.memory_space<vmem>>[vector<16xi32>], vector<16xf32>,
        %add3A_1010 = arith.addf %add3A_1000, %gather3A_1009 : vector<16xf32>
        %add3A_1011 = arith.constant 3 : i32
        %add3A_1012 = vector.broadcast %add3A_1011 : i32 to vector<16xi32>
        %add3A_1013 = arith.addi %mul3A_16, %add3A_1012 : vector<16xi32>
        %gather3A_1014 = tpu.vector_load_idx %arg17[%add3A_1013] : memref<272xf32, #tpu.memory_space<vmem>>[vector<16xi32>], vector<16xf32>,
        %add3A_1015 = arith.addf %add3A_1005, %gather3A_1014 : vector<16xf32>
        %add3A_1016 = arith.constant 3 : i32
        %add3A_1017 = vector.broadcast %add3A_1016 : i32 to vector<16xi32>
        %add3A_1018 = arith.addi %mul3A_16, %add3A_1017 : vector<16xi32>
        %gather3A_1019 = tpu.vector_load_idx %arg18[%add3A_1018] : memref<272xf32, #tpu.memory_space<vmem>>[vector<16xi32>], vector<16xf32>,
        %add3A_1020 = arith.addf %add3A_1010, %gather3A_1019 : vector<16xf32>
        %add3A_1021 = arith.constant 4 : i32
        %add3A_1022 = vector.broadcast %add3A_1021 : i32 to vector<16xi32>
        %add3A_1023 = arith.addi %mul3A_16, %add3A_1022 : vector<16xi32>
        %gather3A_1024 = tpu.vector_load_idx %arg17[%add3A_1023] : memref<272xf32, #tpu.memory_space<vmem>>[vector<16xi32>], vector<16xf32>,
        %add3A_1025 = arith.addf %add3A_1015, %gather3A_1024 : vector<16xf32>
        %add3A_1026 = arith.constant 4 : i32
        %add3A_1027 = vector.broadcast %add3A_1026 : i32 to vector<16xi32>
        %add3A_1028 = arith.addi %mul3A_16, %add3A_1027 : vector<16xi32>
        %gather3A_1029 = tpu.vector_load_idx %arg18[%add3A_1028] : memref<272xf32, #tpu.memory_space<vmem>>[vector<16xi32>], vector<16xf32>,
        %add3A_1030 = arith.addf %add3A_1020, %gather3A_1029 : vector<16xf32>
        %add3A_1031 = arith.constant 5 : i32
        %add3A_1032 = vector.broadcast %add3A_1031 : i32 to vector<16xi32>
        %add3A_1033 = arith.addi %mul3A_16, %add3A_1032 : vector<16xi32>
        %gather3A_1034 = tpu.vector_load_idx %arg17[%add3A_1033] : memref<272xf32, #tpu.memory_space<vmem>>[vector<16xi32>], vector<16xf32>,
        %add3A_1035 = arith.addf %add3A_1025, %gather3A_1034 : vector<16xf32>
        %add3A_1036 = arith.constant 5 : i32
        %add3A_1037 = vector.broadcast %add3A_1036 : i32 to vector<16xi32>
        %add3A_1038 = arith.addi %mul3A_16, %add3A_1037 : vector<16xi32>
        %gather3A_1039 = tpu.vector_load_idx %arg18[%add3A_1038] : memref<272xf32, #tpu.memory_space<vmem>>[vector<16xi32>], vector<16xf32>,
        %add3A_1040 = arith.addf %add3A_1030, %gather3A_1039 : vector<16xf32>
        %add3A_1041 = arith.constant 6 : i32
        %add3A_1042 = vector.broadcast %add3A_1041 : i32 to vector<16xi32>
        %add3A_1043 = arith.addi %mul3A_16, %add3A_1042 : vector<16xi32>
        %gather3A_1044 = tpu.vector_load_idx %arg17[%add3A_1043] : memref<272xf32, #tpu.memory_space<vmem>>[vector<16xi32>], vector<16xf32>,
        %add3A_1045 = arith.addf %add3A_1035, %gather3A_1044 : vector<16xf32>
        %add3A_1046 = arith.constant 6 : i32
        %add3A_1047 = vector.broadcast %add3A_1046 : i32 to vector<16xi32>
        %add3A_1048 = arith.addi %mul3A_16, %add3A_1047 : vector<16xi32>
        %gather3A_1049 = tpu.vector_load_idx %arg18[%add3A_1048] : memref<272xf32, #tpu.memory_space<vmem>>[vector<16xi32>], vector<16xf32>,
        %add3A_1050 = arith.addf %add3A_1040, %gather3A_1049 : vector<16xf32>
        %add3A_1051 = arith.constant 7 : i32
        %add3A_1052 = vector.broadcast %add3A_1051 : i32 to vector<16xi32>
        %add3A_1053 = arith.addi %mul3A_16, %add3A_1052 : vector<16xi32>
        %gather3A_1054 = tpu.vector_load_idx %arg17[%add3A_1053] : memref<272xf32, #tpu.memory_space<vmem>>[vector<16xi32>], vector<16xf32>,
        %add3A_1055 = arith.addf %add3A_1045, %gather3A_1054 : vector<16xf32>
        %add3A_1056 = arith.constant 7 : i32
        %add3A_1057 = vector.broadcast %add3A_1056 : i32 to vector<16xi32>
        %add3A_1058 = arith.addi %mul3A_16, %add3A_1057 : vector<16xi32>
        %gather3A_1059 = tpu.vector_load_idx %arg18[%add3A_1058] : memref<272xf32, #tpu.memory_space<vmem>>[vector<16xi32>], vector<16xf32>,
        %add3A_1060 = arith.addf %add3A_1050, %gather3A_1059 : vector<16xf32>
        %add3A_1061 = arith.constant 8 : i32
        %add3A_1062 = vector.broadcast %add3A_1061 : i32 to vector<16xi32>
        %add3A_1063 = arith.addi %mul3A_16, %add3A_1062 : vector<16xi32>
        %gather3A_1064 = tpu.vector_load_idx %arg17[%add3A_1063] : memref<272xf32, #tpu.memory_space<vmem>>[vector<16xi32>], vector<16xf32>,
        %add3A_1065 = arith.addf %add3A_1055, %gather3A_1064 : vector<16xf32>
        %add3A_1066 = arith.constant 8 : i32
        %add3A_1067 = vector.broadcast %add3A_1066 : i32 to vector<16xi32>
        %add3A_1068 = arith.addi %mul3A_16, %add3A_1067 : vector<16xi32>
        %gather3A_1069 = tpu.vector_load_idx %arg18[%add3A_1068] : memref<272xf32, #tpu.memory_space<vmem>>[vector<16xi32>], vector<16xf32>,
        %add3A_1070 = arith.addf %add3A_1060, %gather3A_1069 : vector<16xf32>
        %add3A_1071 = arith.constant 9 : i32
        %add3A_1072 = vector.broadcast %add3A_1071 : i32 to vector<16xi32>
        %add3A_1073 = arith.addi %mul3A_16, %add3A_1072 : vector<16xi32>
        %gather3A_1074 = tpu.vector_load_idx %arg17[%add3A_1073] : memref<272xf32, #tpu.memory_space<vmem>>[vector<16xi32>], vector<16xf32>,
        %add3A_1075 = arith.addf %add3A_1065, %gather3A_1074 : vector<16xf32>
        %add3A_1076 = arith.constant 9 : i32
        %add3A_1077 = vector.broadcast %add3A_1076 : i32 to vector<16xi32>
        %add3A_1078 = arith.addi %mul3A_16, %add3A_1077 : vector<16xi32>
        %gather3A_1079 = tpu.vector_load_idx %arg18[%add3A_1078] : memref<272xf32, #tpu.memory_space<vmem>>[vector<16xi32>], vector<16xf32>,
        %add3A_1080 = arith.addf %add3A_1070, %gather3A_1079 : vector<16xf32>
        %add3A_1081 = arith.constant 10 : i32
        %add3A_1082 = vector.broadcast %add3A_1081 : i32 to vector<16xi32>
        %add3A_1083 = arith.addi %mul3A_16, %add3A_1082 : vector<16xi32>
        %gather3A_1084 = tpu.vector_load_idx %arg17[%add3A_1083] : memref<272xf32, #tpu.memory_space<vmem>>[vector<16xi32>], vector<16xf32>,
        %add3A_1085 = arith.addf %add3A_1075, %gather3A_1084 : vector<16xf32>
        %add3A_1086 = arith.constant 10 : i32
        %add3A_1087 = vector.broadcast %add3A_1086 : i32 to vector<16xi32>
        %add3A_1088 = arith.addi %mul3A_16, %add3A_1087 : vector<16xi32>
        %gather3A_1089 = tpu.vector_load_idx %arg18[%add3A_1088] : memref<272xf32, #tpu.memory_space<vmem>>[vector<16xi32>], vector<16xf32>,
        %add3A_1090 = arith.addf %add3A_1080, %gather3A_1089 : vector<16xf32>
        %add3A_1091 = arith.constant 11 : i32
        %add3A_1092 = vector.broadcast %add3A_1091 : i32 to vector<16xi32>
        %add3A_1093 = arith.addi %mul3A_16, %add3A_1092 : vector<16xi32>
        %gather3A_1094 = tpu.vector_load_idx %arg17[%add3A_1093] : memref<272xf32, #tpu.memory_space<vmem>>[vector<16xi32>], vector<16xf32>,
        %add3A_1095 = arith.addf %add3A_1085, %gather3A_1094 : vector<16xf32>
        %add3A_1096 = arith.constant 11 : i32
        %add3A_1097 = vector.broadcast %add3A_1096 : i32 to vector<16xi32>
        %add3A_1098 = arith.addi %mul3A_16, %add3A_1097 : vector<16xi32>
        %gather3A_1099 = tpu.vector_load_idx %arg18[%add3A_1098] : memref<272xf32, #tpu.memory_space<vmem>>[vector<16xi32>], vector<16xf32>,
        %add3A_1100 = arith.addf %add3A_1090, %gather3A_1099 : vector<16xf32>
        %add3A_1101 = arith.constant 12 : i32
        %add3A_1102 = vector.broadcast %add3A_1101 : i32 to vector<16xi32>
        %add3A_1103 = arith.addi %mul3A_16, %add3A_1102 : vector<16xi32>
        %gather3A_1104 = tpu.vector_load_idx %arg17[%add3A_1103] : memref<272xf32, #tpu.memory_space<vmem>>[vector<16xi32>], vector<16xf32>,
        %add3A_1105 = arith.addf %add3A_1095, %gather3A_1104 : vector<16xf32>
        %add3A_1106 = arith.constant 12 : i32
        %add3A_1107 = vector.broadcast %add3A_1106 : i32 to vector<16xi32>
        %add3A_1108 = arith.addi %mul3A_16, %add3A_1107 : vector<16xi32>
        %gather3A_1109 = tpu.vector_load_idx %arg18[%add3A_1108] : memref<272xf32, #tpu.memory_space<vmem>>[vector<16xi32>], vector<16xf32>,
        %add3A_1110 = arith.addf %add3A_1100, %gather3A_1109 : vector<16xf32>
        %add3A_1111 = arith.constant 13 : i32
        %add3A_1112 = vector.broadcast %add3A_1111 : i32 to vector<16xi32>
        %add3A_1113 = arith.addi %mul3A_16, %add3A_1112 : vector<16xi32>
        %gather3A_1114 = tpu.vector_load_idx %arg17[%add3A_1113] : memref<272xf32, #tpu.memory_space<vmem>>[vector<16xi32>], vector<16xf32>,
        %add3A_1115 = arith.addf %add3A_1105, %gather3A_1114 : vector<16xf32>
        %add3A_1116 = arith.constant 13 : i32
        %add3A_1117 = vector.broadcast %add3A_1116 : i32 to vector<16xi32>
        %add3A_1118 = arith.addi %mul3A_16, %add3A_1117 : vector<16xi32>
        %gather3A_1119 = tpu.vector_load_idx %arg18[%add3A_1118] : memref<272xf32, #tpu.memory_space<vmem>>[vector<16xi32>], vector<16xf32>,
        %add3A_1120 = arith.addf %add3A_1110, %gather3A_1119 : vector<16xf32>
        %add3A_1121 = arith.constant 14 : i32
        %add3A_1122 = vector.broadcast %add3A_1121 : i32 to vector<16xi32>
        %add3A_1123 = arith.addi %mul3A_16, %add3A_1122 : vector<16xi32>
        %gather3A_1124 = tpu.vector_load_idx %arg17[%add3A_1123] : memref<272xf32, #tpu.memory_space<vmem>>[vector<16xi32>], vector<16xf32>,
        %add3A_1125 = arith.addf %add3A_1115, %gather3A_1124 : vector<16xf32>
        %add3A_1126 = arith.constant 14 : i32
        %add3A_1127 = vector.broadcast %add3A_1126 : i32 to vector<16xi32>
        %add3A_1128 = arith.addi %mul3A_16, %add3A_1127 : vector<16xi32>
        %gather3A_1129 = tpu.vector_load_idx %arg18[%add3A_1128] : memref<272xf32, #tpu.memory_space<vmem>>[vector<16xi32>], vector<16xf32>,
        %add3A_1130 = arith.addf %add3A_1120, %gather3A_1129 : vector<16xf32>
        %add3A_1131 = arith.constant 15 : i32
        %add3A_1132 = vector.broadcast %add3A_1131 : i32 to vector<16xi32>
        %add3A_1133 = arith.addi %mul3A_16, %add3A_1132 : vector<16xi32>
        %gather3A_1134 = tpu.vector_load_idx %arg17[%add3A_1133] : memref<272xf32, #tpu.memory_space<vmem>>[vector<16xi32>], vector<16xf32>,
        %add3A_1135 = arith.addf %add3A_1125, %gather3A_1134 : vector<16xf32>
        %add3A_1136 = arith.constant 15 : i32
        %add3A_1137 = vector.broadcast %add3A_1136 : i32 to vector<16xi32>
        %add3A_1138 = arith.addi %mul3A_16, %add3A_1137 : vector<16xi32>
        %gather3A_1139 = tpu.vector_load_idx %arg18[%add3A_1138] : memref<272xf32, #tpu.memory_space<vmem>>[vector<16xi32>], vector<16xf32>,
        %add3A_1140 = arith.addf %add3A_1130, %gather3A_1139 : vector<16xf32>
        %mul3A_1141 = arith.constant 16 : i32
        %mul3A_1142 = arith.muli %scan3A_55, %mul3A_1141 : i32
        %add3A_1143 = arith.addi %mul3A_24, %mul3A_1142 : i32
        %swap3A_1144 = arith.index_cast %add3A_1143 : i32 to index
        %swap3A_1145 = tpu.vector_load %arg15[%swap3A_1144] {strides = array<i32>} : memref<512xf32, #tpu.memory_space<vmem>>, vector<16xf32>,
        tpu.vector_store %arg15[%swap3A_1144], %add3A_1135 {strides = array<i32>} : memref<512xf32, #tpu.memory_space<vmem>>, vector<16xf32>,
        %swap3A_1146 = arith.index_cast %add3A_1143 : i32 to index
        %swap3A_1147 = tpu.vector_load %arg16[%swap3A_1146] {strides = array<i32>} : memref<512xf32, #tpu.memory_space<vmem>>, vector<16xf32>,
        tpu.vector_store %arg16[%swap3A_1146], %add3A_1140 {strides = array<i32>} : memref<512xf32, #tpu.memory_space<vmem>>, vector<16xf32>,
      }
      %scan3A_54 = arith.constant 8 : i32
    }
    %scan3A_21 = arith.constant 4 : i32
    "tpu.region"() ({
      %run_scoped3A = tpu.sem_alloc : memref<!tpu.dma_semaphore, #tpu.memory_space<semaphore_mem>>
      %dma_start3A_22 = tpu.memref_slice %arg7[%mul3A_2] : memref<16384xf32, #tpu.memory_space<hbm>> -> memref<512xf32, #tpu.memory_space<hbm>>
      %dma_start3A_23 = tpu.memref_slice %arg7[%mul3A_2] : memref<16384xf32, #tpu.memory_space<hbm>> -> memref<512xf32, #tpu.memory_space<hbm>>
      tpu.enqueue_dma source(%arg15 : memref<512xf32, #tpu.memory_space<vmem>>) target(%dma_start3A_23 : memref<512xf32, #tpu.memory_space<hbm>>) target_semaphore(%run_scoped3A : memref<!tpu.dma_semaphore, #tpu.memory_space<semaphore_mem>>)
      %dma_wait3A_24 = tpu.memref_slice %arg7[%mul3A_2] : memref<16384xf32, #tpu.memory_space<hbm>> -> memref<512xf32, #tpu.memory_space<hbm>>
      %dma_wait3A_25 = tpu.memref_slice %arg7[%mul3A_2] : memref<16384xf32, #tpu.memory_space<hbm>> -> memref<512xf32, #tpu.memory_space<hbm>>
      tpu.wait_dma2 semaphore(%run_scoped3A : memref<!tpu.dma_semaphore, #tpu.memory_space<semaphore_mem>>) src(%arg15 : memref<512xf32, #tpu.memory_space<vmem>>) dst(%dma_wait3A_25 : memref<512xf32, #tpu.memory_space<hbm>>)
      tpu.yield
    }) : () -> ()
    "tpu.region"() ({
      %run_scoped3A = tpu.sem_alloc : memref<!tpu.dma_semaphore, #tpu.memory_space<semaphore_mem>>
      %dma_start3A_22 = tpu.memref_slice %arg8[%mul3A_2] : memref<16384xf32, #tpu.memory_space<hbm>> -> memref<512xf32, #tpu.memory_space<hbm>>
      %dma_start3A_23 = tpu.memref_slice %arg8[%mul3A_2] : memref<16384xf32, #tpu.memory_space<hbm>> -> memref<512xf32, #tpu.memory_space<hbm>>
      tpu.enqueue_dma source(%arg16 : memref<512xf32, #tpu.memory_space<vmem>>) target(%dma_start3A_23 : memref<512xf32, #tpu.memory_space<hbm>>) target_semaphore(%run_scoped3A : memref<!tpu.dma_semaphore, #tpu.memory_space<semaphore_mem>>)
      %dma_wait3A_24 = tpu.memref_slice %arg8[%mul3A_2] : memref<16384xf32, #tpu.memory_space<hbm>> -> memref<512xf32, #tpu.memory_space<hbm>>
      %dma_wait3A_25 = tpu.memref_slice %arg8[%mul3A_2] : memref<16384xf32, #tpu.memory_space<hbm>> -> memref<512xf32, #tpu.memory_space<hbm>>
      tpu.wait_dma2 semaphore(%run_scoped3A : memref<!tpu.dma_semaphore, #tpu.memory_space<semaphore_mem>>) src(%arg16 : memref<512xf32, #tpu.memory_space<vmem>>) dst(%dma_wait3A_25 : memref<512xf32, #tpu.memory_space<hbm>>)
      tpu.yield
    }) : () -> ()
    return
  }
}

</mosaic_0001>

<sc_bundles>
// kernel: kernel.3.cloned.1.call-start
scs
__scs_entry_jumppad:
0x0: {  	(pc) =	sbr.rel $0x88, $3  }
0x1: {  	(tag) =	ssettag $0x0;
	lr =	simm.s32 $0x1  }
0x2: {  	[smem:$0x3F9C] =	sst lr;
	_ =	strace $0xD0000000  }
0x3: {  	_ = 	snop  }
0x4: {  	_ = 	snop  }
0x5: {  	_ = 	snop  }
0x6: {  	_ = 	snop  }
0x7: {  	_ = 	snop  }
__scs_overlays_trampoline_lowered:
0x8: {  	[smem:$0x3FAB] =	sst s0  }
0x9: {  	[smem:$0x3FAC] =	sst s1  }
0xa: {  	[smem:$0x3FAD] =	sst s2  }
0xb: {  	[smem:$0x3FAE] =	sst s3  }
0xc: {  	[smem:$0x3FAF] =	sst s4  }
0xd: {  	[smem:$0x3FB0] =	sst s5  }
0xe: {  	[smem:$0x3FB1] =	sst s6  }
0xf: {  	[smem:$0x3FB2] =	sst s7  }
0x10: {  	[smem:$0x3FB3] =	sst s8  }
0x11: {  	[smem:$0x3FB4] =	sst s9;
	s0 =	simm.s32 @!p0 $0x0  }
0x12: {  	s1 =	sld [smem:$0x3F9A];
	s0 =	simm.s32 @p0 $0x1  }
0x13: {  	[smem:$0x3FB5] =	sst s0;
	s0 =	simm.s32 @!p1 $0x0  }
0x14: {  	s2 =	sld [smem:$0x3F99];
	s0 =	simm.s32 @p1 $0x1  }
0x15: {  	[smem:$0x3FB6] =	sst s0;
	s0 =	simm.s32 @!p2 $0x0  }
0x16: {  	s3 =	sld [smem:$0x3FDB];
	s0 =	simm.s32 @p2 $0x1  }
0x17: {  	s4 =	simm.s32 $0x1BF5;
	[smem:$0x3FB8] =	sst s0  }
0x18: {  	s0 =	sld [smem:$0x3F9B];
	_ =	swait.ge [sflag:s4], $0x0  }
0x19: {  	s7 =	sld [smem:$0x3F9C]  }
0x1a: {  	s8 =	sadd.s32 $0xFFFFE003, lr  }
0x1b: {  	s9 =	sadd.s32 $0xFFFFFEF7, lr;
	s5 =	simm.s32 $0xFFFFFFFF;
	p2 =	slt.u32 s8, $0xFFFFF086  }
0x1c: {  	p1 =	slt.u32 s9, $0xF7A;
	s5 =	simm.s32 @!p2 $0x0  }
0x1d: {  	s5 =	simm.s32 @p1 $0x1;
	p0 =	seq.s32 s7, s2  }
0x1e: {  	s7 =	smul.u32 @!p0 $0xF7A, s2;
	p2 =	seq.s32 @!p0 s5, $0x0  }
0x1f: {  	s9 =	smul.u32 $0xF7A, s1;
	s8 =	simm.s32 @!p0 $0x1BF5;
	p2 =	por !p2, p0  }
0x20: {  	[sflag:s8] =	ssyncset.s32 @!p0 $0xFFFFF086;
	s6 =	sadd.s32 @!p0 s3, s7;
	s7 =	simm.s32 @!p0 $0x108  }
0x21: {  	s3 =	sadd.s32 s3, s9;
	s6 =	sadd.s32 @!p0 $0x88, s6;
	s7 =	simm.s32 @p2 $0x1082  }
0x22: {  	[simem:s7], [sflag:s8] =	dma.local @!p0 [hbm:s6], $0xF7A  }
0x23: {  	s9 =	sor.u32 $0xD0000000, s2;
	s6 =	simm.s32 $0x108;
	_ =	swait.ge @!p0 [sflag:s8], $0x0  }
0x24: {  	s3 =	sadd.s32 $0x88, s3;
	s6 =	simm.s32 @!p1 $0x1082;
	[sflag:s4] =	ssyncset.s32 $0xFFFFF086  }
0x25: {  	[simem:s6], [sflag:s4] =	dma.local [hbm:s3], $0xF7A  }
0x26: {  	[smem:$0x3F9C] =	sst s1;
	(tag) =	ssettag s2;
	_ =	strace s9  }
0x27: {  	s1 =	sld [smem:$0x3FAC]  }
0x28: {  	s2 =	sld [smem:$0x3FAD]  }
0x29: {  	s4 =	sld [smem:$0x3FAF]  }
0x2a: {  	p0 =	seq.s32 s5, $0x0;
	s5 =	sld [smem:$0x3FB0]  }
0x2b: {  	s6 =	sld [smem:$0x3FB1]  }
0x2c: {  	s7 =	sld [smem:$0x3FB2]  }
0x2d: {  	s3 =	simm.s32 $0x108;
	s8 =	sld [smem:$0x3FB3]  }
0x2e: {  	s3 =	simm.s32 @!p0 $0x1082;
	s9 =	sld [smem:$0x3FB4]  }
0x2f: {  	lr =	sadd.s32 s0, s3;
	s0 =	sld [smem:$0x3FAB]  }
0x30: {  	s3 =	sld [smem:$0x3FAE]  }
0x31: {  	[smem:$0x3FB7] =	sst s10  }
0x32: {  	s10 =	sld [smem:$0x3FB5];
	_ =	sdelay $0x3  }
0x33: {  	p0 =	seq.s32 s10, $0x1;
	s10 =	sld [smem:$0x3FB7];
	_ =	sdelay $0x3  }
0x34: {  	[smem:$0x3FB7] =	sst s10  }
0x35: {  	s10 =	sld [smem:$0x3FB6];
	_ =	sdelay $0x3  }
0x36: {  	p1 =	seq.s32 s10, $0x1;
	s10 =	sld [smem:$0x3FB7];
	_ =	sdelay $0x3  }
0x37: {  	[smem:$0x3FB7] =	sst s10  }
0x38: {  	s10 =	sld [smem:$0x3FB8]  }
0x39: {  	_ = 	snop;
	(pc) =	sbr.ind lr, $3  }
0x3a: {  	_ = 	snop  }
0x3b: {  	_ = 	snop  }
0x3c: {  	p2 =	seq.s32 s10, $0x1;
	s10 =	sld [smem:$0x3FB7]  }
0x3d: {  	_ =	shalt  }
0x3e: {  	_ =	shalt  }
0x3f: {  	_ =	shalt  }
0x40: {  	_ =	shalt  }
0x41: {  	_ =	shalt  }
0x42: {  	_ =	shalt  }
0x43: {  	_ =	shalt  }
0x44: {  	_ =	shalt  }
0x45: {  	_ =	shalt  }
0x46: {  	_ =	shalt  }
0x47: {  	_ =	shalt  }
0x48: {  	_ =	shalt  }
0x49: {  	_ =	shalt  }
0x4a: {  	_ =	shalt  }
0x4b: {  	_ =	shalt  }
0x4c: {  	_ =	shalt  }
0x4d: {  	_ =	shalt  }
0x4e: {  	_ =	shalt  }
0x4f: {  	_ =	shalt  }
0x50: {  	_ =	shalt  }
0x51: {  	_ =	shalt  }
0x52: {  	_ =	shalt  }
0x53: {  	_ =	shalt  }
0x54: {  	_ =	shalt  }
0x55: {  	_ =	shalt  }
0x56: {  	_ =	shalt  }
0x57: {  	_ =	shalt  }
0x58: {  	_ =	shalt  }
0x59: {  	_ =	shalt  }
0x5a: {  	_ =	shalt  }
0x5b: {  	_ =	shalt  }
0x5c: {  	_ =	shalt  }
0x5d: {  	_ =	shalt  }
0x5e: {  	_ =	shalt  }
0x5f: {  	_ =	shalt  }
0x60: {  	_ =	shalt  }
0x61: {  	_ =	shalt  }
0x62: {  	_ =	shalt  }
0x63: {  	_ =	shalt  }
0x64: {  	_ =	shalt  }
0x65: {  	_ =	shalt  }
0x66: {  	_ =	shalt  }
0x67: {  	_ =	shalt  }
0x68: {  	_ =	shalt  }
0x69: {  	_ =	shalt  }
0x6a: {  	_ =	shalt  }
0x6b: {  	_ =	shalt  }
0x6c: {  	_ =	shalt  }
0x6d: {  	_ =	shalt  }
0x6e: {  	_ =	shalt  }
0x6f: {  	_ =	shalt  }
0x70: {  	_ =	shalt  }
0x71: {  	_ =	shalt  }
0x72: {  	_ =	shalt  }
0x73: {  	_ =	shalt  }
0x74: {  	_ =	shalt  }
0x75: {  	_ =	shalt  }
0x76: {  	_ =	shalt  }
0x77: {  	_ =	shalt  }
0x78: {  	_ =	shalt  }
0x79: {  	_ =	shalt  }
0x7a: {  	_ =	shalt  }
0x7b: {  	_ =	shalt  }
0x7c: {  	_ =	shalt  }
0x7d: {  	_ =	shalt  }
0x7e: {  	_ =	shalt  }
0x7f: {  	_ =	shalt  }
0x80: {  	_ =	shalt  }
0x81: {  	_ =	shalt  }
0x82: {  	_ =	shalt  }
0x83: {  	_ =	shalt  }
0x84: {  	_ =	shalt  }
0x85: {  	_ =	shalt  }
0x86: {  	_ =	shalt  }
0x87: {  	_ =	shalt  }
.Lfunc_end0:
.L_simem_size_0:
called_computation_lowered:
.L_overlay_start_0:
0x88: {  	s2 =	sld [smem:$0x3FD9]  }
0x89: {  	s3 =	sld [smem:$0x3FFE];
	_ =	sdelay $0x1  }
0x8a: {  	s1 =	srdreg.scid  }
0x8b: {  	s0 =	sand.u32 $0x1, s1  }
0x8c: {  	s14 =	sshll.u32 s0, $0xA;
	s2 =	sadd.s32 s3, s2  }
0x8d: {  	s2 =	sadd.s32 s2, s14  }
0x8e: {  	[smem:$0x3FC3] =	sst s2  }
0x8f: {  	_ = 	snop  }
0x90: {  	s2 =	sld [smem:$0x3FD0]  }
0x91: {  	s15 =	sld [smem:$0x3FC9]  }
0x92: {  	s4 =	sld [smem:$0x3FC8]  }
0x93: {  	s6 =	simm.s32 $0xA;
	s7 =	simm.s32 $0x10;
	s5 =	sld [smem:$0x3FC7]  }
0x94: {  	[smem:s7], [sflag:s6] =	dma.local [hbm:s2], $0x1  }
0x95: {  	_ =	swait.eq [sflag:s6], $0x1  }
0x96: {  	[sflag:s6] =	ssyncset.done $0x0  }
0x97: {  	s16 =	sld [smem:$0x10];
	[sflag:s6] =	ssyncadd.s32 $0xFFFFFFFF  }
0x98: {  	s17 =	sld [smem:$0x11];
	(tm) =	ssettm $0x1  }
0x99: {  	s18 =	sld [smem:$0x3FFB];
	_ =	sdelay $0x3  }
0x9a: {  	_ =	strace s18  }
0x9b: {  	s7 =	sld [smem:$0x3FFC];
	_ =	sdelay $0x3  }
0x9c: {  	_ =	strace s7  }
0x9d: {  	s7 =	sld [smem:$0x3FFD];
	_ =	sdelay $0x3  }
0x9e: {  	_ =	strace s7  }
0x9f: {  	_ =	strace $0x8FFFFFFF  }
0xa0: {  	s19 =	sld [smem:$0x3FDB];
	_ =	sdelay $0x1  }
0xa1: {  	s8 =	simm.s32 $_scs_section_size  }
0xa2: {  	s9 =	simm.s32 $_size__tile_overlayer_lowered;
	s10 =	simm.s32 $_tile_overlayer_lowered  }
0xa3: {  	s22 =	simm.s32 $0x1BFF;
	s21 =	sshll.u32 s10, $0x1;
	s7 =	sadd.s32 s8, s19  }
0xa4: {  	s11 =	simm.s32 $0x0;
	s20 =	sshll.u32 s9, $0x1;
	s9 =	sadd.s32 s21, s7  }
0xa5: {  	[timem:s11], [sflag:s22] =	dma.local [hbm:s9], s20  }
0xa6: {  	_ =	swait.ge [sflag:s22], s20  }
0xa7: {  	s8 =	ssub.s32 $0x0, s20;
	[sflag:s22] =	ssyncset.done $0x0  }
0xa8: {  	[sflag:s22] =	ssyncadd.s32 s8;
	_ =	sdelay $0x1  }
0xa9: {  	s23 =	simm.s32 $0x1B8B  }
0xaa: {  	_ =	swait.ge [sflag:s23], $0x1  }
0xab: {  	[sflag:s23] =	ssyncset.done $0x0  }
0xac: {  	s25 =	simm.s32 $0x1B8E;
	s24 =	sld [smem:$0x3FFE];
	[sflag:s23] =	ssyncadd.s32 $0xFFFFFFFF  }
0xad: {  	s26 =	simm.s32 $execute0_lowered;
	[smem:$0x3FD2] =	sst s25  }
0xae: {  	s9 =	sshll.u32 s26, $0x1;
	_ =	strace $0x80000046;
	[dreg:$0x1] =	wrdreg $0xFFFFFFFF  }
0xaf: {  	s28 =	simm.s32 $_size_execute0_lowered;
	s7 =	sadd.s32 s7, s9;
	[dreg:$0x0] =	wrdreg $0x0  }
0xb0: {  	s9 =	sshll.u32 s28, $0x1;
	[dreg:$0x2] =	wrdreg s7  }
0xb1: {  	[dreg:$0x3] =	wrdreg s9  }
0xb2: {  	[dreg:$0x4] =	wrdreg $0xC0  }
0xb3: {  	_ =	task [dreg:s11], $0x5FFFF  }
0xb4: {  	[dreg:$0x1] =	wrdreg $0xFFFFFFFF  }
0xb5: {  	[dreg:$0x0] =	wrdreg $0x60  }
0xb6: {  	[dreg:$0x2] =	wrdreg s15  }
0xb7: {  	[dreg:$0x3] =	wrdreg s4  }
0xb8: {  	[dreg:$0x4] =	wrdreg s5  }
0xb9: {  	[dreg:$0x5] =	wrdreg s24  }
0xba: {  	[dreg:$0x6] =	wrdreg s16  }
0xbb: {  	[dreg:$0x7] =	wrdreg s17  }
0xbc: {  	[dreg:$0x8] =	wrdreg $0x9  }
0xbd: {  	_ =	task.clear_ibuf [dreg:s11], $0x9FFFF;
	_ =	strace $0x90000046  }
0xbe: {  	s29 =	simm.s32 $0x9;
	_ =	strace $0x80000048  }
0xbf: {  	_ =	swait.ge [sflag:s29], $0x1  }
0xc0: {  	[sflag:s29] =	ssyncadd.s32 $0xFFFFFFFF  }
0xc1: {  	_ =	strace $0x90000048  }
0xc2: {  	_ =	sfence  }
0xc3: {  	s30 =	sld [smem:$0x0];
	_ =	sdelay $0x2  }
0xc4: {  	s31 =	sshll.u32 s1, $0xD;
	s1 =	sshrl.u32 s1, $0x2  }
0xc5: {  	s3 =	sand.u32 $0x4000, s31;
	s1 =	sadd.s32 s1, s30  }
0xc6: {  	s0 =	sor.u32 s3, s0;
	s1 =	sshll.u32 s1, $0x11  }
0xc7: {  	s0 =	sor.u32 s1, s0  }
0xc8: {  	s0 =	sadd.s32 $0x8F2B, s0  }
0xc9: {  	[sflag:s0] =	ssyncadd.remote.s32 $0x1  }
0xca: {  	_ =	sfence.sel $0xFFFF  }
0xcb: {  	[dreg:$0x0] =	wrdreg $0xFFFFFFFF;
	(pc) =	sbr.abs _section_cstart, $3  }
0xcc: {  	[dreg:$0x1] =	wrdreg $0xFFFFFFFF  }
0xcd: {  	_ =	task.clear_ibuf [dreg:s11], $0x2FFFF;
	_ =	strace $0x9FFFFFFF  }
0xce: {  	(tm) =	ssettm $0x7FFFFFFF  }
0xcf: {  	_ =	shalt  }
tec
execute0_lowered:
.L_overlay_start_1:
0x0: {  	(tag) =	ssettag $0x1  }
0x1: {  	s0 =	rddreg [dreg:$0x0]  }
0x2: {  	s6 =	rddreg [dreg:$0x1]  }
0x3: {  	s7 =	rddreg [dreg:$0x2]  }
0x4: {  	s4 =	rddreg [dreg:$0x3]  }
0x5: {  	s8 =	rddreg [dreg:$0x4]  }
0x6: {  	s9 =	rddreg [dreg:$0x5];
	s1 =	simm.s32 $0x0  }
0x7: {  	s5 =	srdreg.scid;
	s2 =	stileid.u32;
	s13 =	simm.s32 $0x2  }
0x8: {  	s14 =	simm.s32 $0x80;
	s15 =	simm.s32 $0x600;
	s16 =	simm.s32 $0x4600  }
0x9: {  	s17 =	simm.s32 $0x8600;
	s18 =	simm.s32 $0x1;
	s19 =	simm.s32 $0xCA00  }
0xa: {  	v0 =	vlaneseq.u32;
	s20 =	simm.s32 $0xCB80;
	s21 =	simm.s32 $0xC600;
	s22 =	simm.s32 $0x3  }
0xb: {  	s23 =	simm.s32 $0xC800;
	s24 =	simm.s32 $0x0;
	[smem:$0x7FF] =	sst s1;
	v0 =	vmul.u32 $0x11, v0  }
0xc: {  	s3 =	sadd.s32 $0x30F600, s4;
	s5 =	sand.u32 $0x1, s5;
	s11 =	sshll.u32 s2, $0x7  }
0xd: {  	s4 =	sadd.s32 $0x2200, s4;
	s10 =	ssub.s32 $0x2, s5;
	s5 =	sshll.u32 s5, $0x6;
	v1 =	vadd.s32 $0x1, v0;
	v2 =	vadd.s32 $0x2, v0;
	v3 =	vadd.s32 $0x3, v0  }
0xe: {  	_ =	strace $0x80000047;
	s12 =	sshrl.u32 s10, $0x1;
	s11 =	sor.u32 s5, s11;
	v4 =	vadd.s32 $0x4, v0;
	v5 =	vadd.s32 $0x5, v0;
	v6 =	vadd.s32 $0x6, v0  }
0xf: {  	v7 =	vadd.s32 $0x7, v0;
	v8 =	vadd.s32 $0x8, v0;
	v9 =	vadd.s32 $0x9, v0;
	s10 =	ssub.s32 s10, s12;
	s5 =	sadd.s32 s0, s11;
	s6 =	sadd.s32 s6, s11  }
0x10: {  	v10 =	vadd.s32 $0xA, v0;
	v11 =	vadd.s32 $0xB, v0;
	v12 =	vadd.s32 $0xC, v0;
	s7 =	sadd.s32 s7, s11;
	s8 =	sadd.s32 s8, s11;
	s9 =	sadd.s32 s9, s11  }
0x11: {  	v13 =	vadd.s32 $0xD, v0;
	v14 =	vadd.s32 $0xE, v0;
	v15 =	vadd.s32 $0xF, v0;
	s11 =	simm.s32 $0x200;
	s12 =	simm.s32 $0x400;
	s10 =	smax.u32 s10, $0x1  }
.LBB2_1:
0x12: {  	[tilespmem:s1], [sflag:$0x2] =	stream.linear.gather [hbm4b:s5+s1], $0x200, $0x38;
	[tilespmem:$0xCD00] =	vst v63  }
0x13: {  	_ = 	snop  }
0x14: {  	[tilespmem:s11], [sflag:$0x2] =	stream.linear.gather [hbm4b:s6+s1], $0x200, $0x38;
	[tilespmem:$0xCD00] =	vst v63  }
0x15: {  	_ = 	snop  }
0x16: {  	[tilespmem:s12], [sflag:$0x2] =	stream.linear.gather [hbm4b:s7+s1], $0x200, $0x38;
	[tilespmem:$0xCD00] =	vst v63  }
0x17: {  	_ =	swait.ge [sflag:s13], $0x200  }
0x18: {  	[sflag:s13] =	ssyncset.done $0x0  }
0x19: {  	[sflag:s13] =	ssyncadd.s32 $0xFFFFFE00  }
0x1a: {  	_ =	swait.ge [sflag:s13], $0x200  }
0x1b: {  	[sflag:s13] =	ssyncset.done $0x0  }
0x1c: {  	[sflag:s13] =	ssyncadd.s32 $0xFFFFFE00  }
0x1d: {  	_ =	swait.ge [sflag:s13], $0x200  }
0x1e: {  	s25 =	simm.s32 $0xC800;
	[sflag:s13] =	ssyncset.done $0x0  }
0x1f: {  	s26 =	simm.s32 $0xC600;
	s28 =	simm.s32 $0x0;
	[sflag:s13] =	ssyncadd.s32 $0xFFFFFE00  }
.LBB2_2:
0x20: {  	s0 =	sshll.u32 s28, $0x7  }
0x21: {  	[tilespmem:s15], [sflag:$0x1] =	stream.indirect.gather [hbm4b:s3+s14], $0x80, s0, s14, $0xb8;
	[tilespmem:$0xCD00] =	vst v63  }
0x22: {  	s29 =	sadd.s32 $0x200, s0  }
0x23: {  	[tilespmem:s16], [sflag:$0x1] =	stream.indirect.gather [hbm4b:s4+s14], $0x80, s29, s14, $0xb8;
	[tilespmem:$0xCD00] =	vst v63  }
0x24: {  	s0 =	sadd.s32 $0x400, s0  }
0x25: {  	[tilespmem:s17], [sflag:$0x1] =	stream.indirect.gather [hbm4b:s4+s14], $0x80, s0, s14, $0xb8;
	[tilespmem:$0xCD00] =	vst v63  }
0x26: {  	_ =	swait.ge [sflag:s18], $0x4000  }
0x27: {  	[sflag:s18] =	ssyncset.done $0x0  }
0x28: {  	[sflag:s18] =	ssyncadd.s32 $0xFFFFC000  }
0x29: {  	_ =	swait.ge [sflag:s18], $0x4000  }
0x2a: {  	[sflag:s18] =	ssyncset.done $0x0  }
0x2b: {  	[sflag:s18] =	ssyncadd.s32 $0xFFFFC000  }
0x2c: {  	_ =	swait.ge [sflag:s18], $0x4000  }
0x2d: {  	s30 =	smov.u32 s25;
	[sflag:s18] =	ssyncset.done $0x0  }
0x2e: {  	s31 =	smov.u32 s26;
	s29 =	simm.s32 $0x0;
	[sflag:s18] =	ssyncadd.s32 $0xFFFFC000  }
.LBB2_3:
0x2f: {  	s0 =	sshra.s32 s29, $0x2  }
0x30: {  	v16 =	vld [tilespmem:s0+$0x600]  }
0x31: {  	v17 =	vld [tilespmem:s0+$0x610]  }
0x32: {  	v18 =	vld [tilespmem:s0+$0x620]  }
0x33: {  	v19 =	vld [tilespmem:s0+$0x630]  }
0x34: {  	v20 =	vld [tilespmem:s0+$0x4600]  }
0x35: {  	v21 =	vld [tilespmem:s0+$0x4610]  }
0x36: {  	v22 =	vld [tilespmem:s0+$0x8600]  }
0x37: {  	v23 =	vld [tilespmem:s0+$0x8610]  }
0x38: {  	v24 =	vld [tilespmem:s0+$0x4620]  }
0x39: {  	v25 =	vld [tilespmem:s0+$0x8620]  }
0x3a: {  	v26 =	vld [tilespmem:s0+$0x4630]  }
0x3b: {  	v27 =	vld [tilespmem:s0+$0x8630];
	v20 =	vmul.f32 v20, v16;
	v21 =	vmul.f32 v21, v17  }
0x3c: {  	v16 =	vmul.f32 v22, v16;
	v17 =	vmul.f32 v23, v17  }
0x3d: {  	v28 =	vmul.f32 v24, v18;
	v20 =	vadd.f32 v21, v20  }
0x3e: {  	v16 =	vadd.f32 v17, v16;
	v17 =	vmul.f32 v25, v18  }
0x3f: {  	v30 =	vmul.f32 v26, v19;
	v29 =	vadd.f32 v28, v20  }
0x40: {  	v16 =	vadd.f32 v17, v16;
	v17 =	vmul.f32 v27, v19  }
0x41: {  	v18 =	vadd.f32 v30, v29  }
0x42: {  	v16 =	vadd.f32 v17, v16  }
0x43: {  	[tilespmem:$0xCA00] =	vst v18  }
0x44: {  	[tilespmem:$0xCB80] =	vst v16  }
0x45: {  	v16 =	vld [tilespmem:s0+$0x680]  }
0x46: {  	v17 =	vld [tilespmem:s0+$0x690]  }
0x47: {  	v18 =	vld [tilespmem:s0+$0x6A0]  }
0x48: {  	v31 =	vld [tilespmem:s0+$0x6B0]  }
0x49: {  	v32 =	vld [tilespmem:s0+$0x4680]  }
0x4a: {  	v33 =	vld [tilespmem:s0+$0x4690]  }
0x4b: {  	v34 =	vld [tilespmem:s0+$0x8680]  }
0x4c: {  	v35 =	vld [tilespmem:s0+$0x8690]  }
0x4d: {  	v36 =	vld [tilespmem:s0+$0x46A0]  }
0x4e: {  	v37 =	vld [tilespmem:s0+$0x86A0]  }
0x4f: {  	v38 =	vld [tilespmem:s0+$0x46B0]  }
0x50: {  	v39 =	vld [tilespmem:s0+$0x86B0];
	v20 =	vmul.f32 v32, v16;
	v21 =	vmul.f32 v33, v17  }
0x51: {  	v16 =	vmul.f32 v34, v16;
	v17 =	vmul.f32 v35, v17  }
0x52: {  	v40 =	vmul.f32 v36, v18;
	v20 =	vadd.f32 v21, v20  }
0x53: {  	v16 =	vadd.f32 v17, v16;
	v17 =	vmul.f32 v37, v18  }
0x54: {  	v42 =	vmul.f32 v38, v31;
	v41 =	vadd.f32 v40, v20  }
0x55: {  	v16 =	vadd.f32 v17, v16;
	v17 =	vmul.f32 v39, v31  }
0x56: {  	v18 =	vadd.f32 v42, v41  }
0x57: {  	v16 =	vadd.f32 v17, v16  }
0x58: {  	[tilespmem:$0xCA11] =	vst v18  }
0x59: {  	[tilespmem:$0xCB91] =	vst v16  }
0x5a: {  	v16 =	vld [tilespmem:s0+$0x700]  }
0x5b: {  	v17 =	vld [tilespmem:s0+$0x710]  }
0x5c: {  	v18 =	vld [tilespmem:s0+$0x720]  }
0x5d: {  	v43 =	vld [tilespmem:s0+$0x730]  }
0x5e: {  	v44 =	vld [tilespmem:s0+$0x4700]  }
0x5f: {  	v45 =	vld [tilespmem:s0+$0x4710]  }
0x60: {  	v46 =	vld [tilespmem:s0+$0x8700]  }
0x61: {  	v47 =	vld [tilespmem:s0+$0x8710]  }
0x62: {  	v48 =	vld [tilespmem:s0+$0x4720]  }
0x63: {  	v49 =	vld [tilespmem:s0+$0x8720]  }
0x64: {  	v50 =	vld [tilespmem:s0+$0x4730]  }
0x65: {  	v51 =	vld [tilespmem:s0+$0x8730];
	v20 =	vmul.f32 v44, v16;
	v21 =	vmul.f32 v45, v17  }
0x66: {  	v16 =	vmul.f32 v46, v16;
	v17 =	vmul.f32 v47, v17  }
0x67: {  	v52 =	vmul.f32 v48, v18;
	v20 =	vadd.f32 v21, v20  }
0x68: {  	v16 =	vadd.f32 v17, v16;
	v17 =	vmul.f32 v49, v18  }
0x69: {  	v54 =	vmul.f32 v50, v43;
	v53 =	vadd.f32 v52, v20  }
0x6a: {  	v16 =	vadd.f32 v17, v16;
	v17 =	vmul.f32 v51, v43  }
0x6b: {  	v18 =	vadd.f32 v54, v53  }
0x6c: {  	v16 =	vadd.f32 v17, v16  }
0x6d: {  	[tilespmem:$0xCA22] =	vst v18  }
0x6e: {  	[tilespmem:$0xCBA2] =	vst v16  }
0x6f: {  	v16 =	vld [tilespmem:s0+$0x780]  }
0x70: {  	v17 =	vld [tilespmem:s0+$0x790]  }
0x71: {  	v18 =	vld [tilespmem:s0+$0x7A0]  }
0x72: {  	v55 =	vld [tilespmem:s0+$0x7B0]  }
0x73: {  	v56 =	vld [tilespmem:s0+$0x4780]  }
0x74: {  	v57 =	vld [tilespmem:s0+$0x4790]  }
0x75: {  	v58 =	vld [tilespmem:s0+$0x8780]  }
0x76: {  	v59 =	vld [tilespmem:s0+$0x8790]  }
0x77: {  	v60 =	vld [tilespmem:s0+$0x47A0]  }
0x78: {  	v61 =	vld [tilespmem:s0+$0x87A0]  }
0x79: {  	v62 =	vld [tilespmem:s0+$0x47B0]  }
0x7a: {  	v63 =	vld [tilespmem:s0+$0x87B0];
	v20 =	vmul.f32 v56, v16;
	v21 =	vmul.f32 v57, v17  }
0x7b: {  	v16 =	vmul.f32 v58, v16;
	v17 =	vmul.f32 v59, v17  }
0x7c: {  	v28 =	vmul.f32 v60, v18;
	v20 =	vadd.f32 v21, v20  }
0x7d: {  	v16 =	vadd.f32 v17, v16;
	v17 =	vmul.f32 v61, v18  }
0x7e: {  	v30 =	vmul.f32 v62, v55;
	v29 =	vadd.f32 v28, v20  }
0x7f: {  	v16 =	vadd.f32 v17, v16;
	v17 =	vmul.f32 v63, v55  }
0x80: {  	v18 =	vadd.f32 v30, v29  }
0x81: {  	v16 =	vadd.f32 v17, v16  }
0x82: {  	[tilespmem:$0xCA33] =	vst v18  }
0x83: {  	[tilespmem:$0xCBB3] =	vst v16  }
0x84: {  	v16 =	vld [tilespmem:s0+$0x800]  }
0x85: {  	v17 =	vld [tilespmem:s0+$0x810]  }
0x86: {  	v18 =	vld [tilespmem:s0+$0x820]  }
0x87: {  	v31 =	vld [tilespmem:s0+$0x830]  }
0x88: {  	v32 =	vld [tilespmem:s0+$0x4800]  }
0x89: {  	v33 =	vld [tilespmem:s0+$0x4810]  }
0x8a: {  	v34 =	vld [tilespmem:s0+$0x8800]  }
0x8b: {  	v35 =	vld [tilespmem:s0+$0x8810]  }
0x8c: {  	v36 =	vld [tilespmem:s0+$0x4820]  }
0x8d: {  	v37 =	vld [tilespmem:s0+$0x8820]  }
0x8e: {  	v38 =	vld [tilespmem:s0+$0x4830]  }
0x8f: {  	v39 =	vld [tilespmem:s0+$0x8830];
	v20 =	vmul.f32 v32, v16;
	v21 =	vmul.f32 v33, v17  }
0x90: {  	v16 =	vmul.f32 v34, v16;
	v17 =	vmul.f32 v35, v17  }
0x91: {  	v40 =	vmul.f32 v36, v18;
	v20 =	vadd.f32 v21, v20  }
0x92: {  	v16 =	vadd.f32 v17, v16;
	v17 =	vmul.f32 v37, v18  }
0x93: {  	v42 =	vmul.f32 v38, v31;
	v41 =	vadd.f32 v40, v20  }
0x94: {  	v16 =	vadd.f32 v17, v16;
	v17 =	vmul.f32 v39, v31  }
0x95: {  	v18 =	vadd.f32 v42, v41  }
0x96: {  	v16 =	vadd.f32 v17, v16  }
0x97: {  	[tilespmem:$0xCA44] =	vst v18  }
0x98: {  	[tilespmem:$0xCBC4] =	vst v16  }
0x99: {  	v16 =	vld [tilespmem:s0+$0x880]  }
0x9a: {  	v17 =	vld [tilespmem:s0+$0x890]  }
0x9b: {  	v18 =	vld [tilespmem:s0+$0x8A0]  }
0x9c: {  	v43 =	vld [tilespmem:s0+$0x8B0]  }
0x9d: {  	v44 =	vld [tilespmem:s0+$0x4880]  }
0x9e: {  	v45 =	vld [tilespmem:s0+$0x4890]  }
0x9f: {  	v46 =	vld [tilespmem:s0+$0x8880]  }
0xa0: {  	v47 =	vld [tilespmem:s0+$0x8890]  }
0xa1: {  	v48 =	vld [tilespmem:s0+$0x48A0]  }
0xa2: {  	v49 =	vld [tilespmem:s0+$0x88A0]  }
0xa3: {  	v50 =	vld [tilespmem:s0+$0x48B0]  }
0xa4: {  	v51 =	vld [tilespmem:s0+$0x88B0];
	v20 =	vmul.f32 v44, v16;
	v21 =	vmul.f32 v45, v17  }
0xa5: {  	v16 =	vmul.f32 v46, v16;
	v17 =	vmul.f32 v47, v17  }
0xa6: {  	v52 =	vmul.f32 v48, v18;
	v20 =	vadd.f32 v21, v20  }
0xa7: {  	v16 =	vadd.f32 v17, v16;
	v17 =	vmul.f32 v49, v18  }
0xa8: {  	v54 =	vmul.f32 v50, v43;
	v53 =	vadd.f32 v52, v20  }
0xa9: {  	v16 =	vadd.f32 v17, v16;
	v17 =	vmul.f32 v51, v43  }
0xaa: {  	v18 =	vadd.f32 v54, v53  }
0xab: {  	v16 =	vadd.f32 v17, v16  }
0xac: {  	[tilespmem:$0xCA55] =	vst v18  }
0xad: {  	[tilespmem:$0xCBD5] =	vst v16  }
0xae: {  	v16 =	vld [tilespmem:s0+$0x900]  }
0xaf: {  	v17 =	vld [tilespmem:s0+$0x910]  }
0xb0: {  	v18 =	vld [tilespmem:s0+$0x920]  }
0xb1: {  	v55 =	vld [tilespmem:s0+$0x930]  }
0xb2: {  	v56 =	vld [tilespmem:s0+$0x4900]  }
0xb3: {  	v57 =	vld [tilespmem:s0+$0x4910]  }
0xb4: {  	v58 =	vld [tilespmem:s0+$0x8900]  }
0xb5: {  	v59 =	vld [tilespmem:s0+$0x8910]  }
0xb6: {  	v60 =	vld [tilespmem:s0+$0x4920]  }
0xb7: {  	v61 =	vld [tilespmem:s0+$0x8920]  }
0xb8: {  	v62 =	vld [tilespmem:s0+$0x4930]  }
0xb9: {  	v63 =	vld [tilespmem:s0+$0x8930];
	v20 =	vmul.f32 v56, v16;
	v21 =	vmul.f32 v57, v17  }
0xba: {  	v16 =	vmul.f32 v58, v16;
	v17 =	vmul.f32 v59, v17  }
0xbb: {  	v28 =	vmul.f32 v60, v18;
	v20 =	vadd.f32 v21, v20  }
0xbc: {  	v16 =	vadd.f32 v17, v16;
	v17 =	vmul.f32 v61, v18  }
0xbd: {  	v30 =	vmul.f32 v62, v55;
	v29 =	vadd.f32 v28, v20  }
0xbe: {  	v16 =	vadd.f32 v17, v16;
	v17 =	vmul.f32 v63, v55  }
0xbf: {  	v18 =	vadd.f32 v30, v29  }
0xc0: {  	v16 =	vadd.f32 v17, v16  }
0xc1: {  	[tilespmem:$0xCA66] =	vst v18  }
0xc2: {  	[tilespmem:$0xCBE6] =	vst v16  }
0xc3: {  	v16 =	vld [tilespmem:s0+$0x980]  }
0xc4: {  	v17 =	vld [tilespmem:s0+$0x990]  }
0xc5: {  	v18 =	vld [tilespmem:s0+$0x9A0]  }
0xc6: {  	v31 =	vld [tilespmem:s0+$0x9B0]  }
0xc7: {  	v32 =	vld [tilespmem:s0+$0x4980]  }
0xc8: {  	v33 =	vld [tilespmem:s0+$0x4990]  }
0xc9: {  	v34 =	vld [tilespmem:s0+$0x8980]  }
0xca: {  	v35 =	vld [tilespmem:s0+$0x8990]  }
0xcb: {  	v36 =	vld [tilespmem:s0+$0x49A0]  }
0xcc: {  	v37 =	vld [tilespmem:s0+$0x89A0]  }
0xcd: {  	v38 =	vld [tilespmem:s0+$0x49B0]  }
0xce: {  	v39 =	vld [tilespmem:s0+$0x89B0];
	v20 =	vmul.f32 v32, v16;
	v21 =	vmul.f32 v33, v17  }
0xcf: {  	v16 =	vmul.f32 v34, v16;
	v17 =	vmul.f32 v35, v17  }
0xd0: {  	v40 =	vmul.f32 v36, v18;
	v20 =	vadd.f32 v21, v20  }
0xd1: {  	v16 =	vadd.f32 v17, v16;
	v17 =	vmul.f32 v37, v18  }
0xd2: {  	v42 =	vmul.f32 v38, v31;
	v41 =	vadd.f32 v40, v20  }
0xd3: {  	v16 =	vadd.f32 v17, v16;
	v17 =	vmul.f32 v39, v31  }
0xd4: {  	v18 =	vadd.f32 v42, v41  }
0xd5: {  	v16 =	vadd.f32 v17, v16  }
0xd6: {  	[tilespmem:$0xCA77] =	vst v18  }
0xd7: {  	[tilespmem:$0xCBF7] =	vst v16  }
0xd8: {  	v16 =	vld [tilespmem:s0+$0xA00]  }
0xd9: {  	v17 =	vld [tilespmem:s0+$0xA10]  }
0xda: {  	v18 =	vld [tilespmem:s0+$0xA20]  }
0xdb: {  	v43 =	vld [tilespmem:s0+$0xA30]  }
0xdc: {  	v44 =	vld [tilespmem:s0+$0x4A00]  }
0xdd: {  	v45 =	vld [tilespmem:s0+$0x4A10]  }
0xde: {  	v46 =	vld [tilespmem:s0+$0x8A00]  }
0xdf: {  	v47 =	vld [tilespmem:s0+$0x8A10]  }
0xe0: {  	v48 =	vld [tilespmem:s0+$0x4A20]  }
0xe1: {  	v49 =	vld [tilespmem:s0+$0x8A20]  }
0xe2: {  	v50 =	vld [tilespmem:s0+$0x4A30]  }
0xe3: {  	v51 =	vld [tilespmem:s0+$0x8A30];
	v20 =	vmul.f32 v44, v16;
	v21 =	vmul.f32 v45, v17  }
0xe4: {  	v16 =	vmul.f32 v46, v16;
	v17 =	vmul.f32 v47, v17  }
0xe5: {  	v52 =	vmul.f32 v48, v18;
	v20 =	vadd.f32 v21, v20  }
0xe6: {  	v16 =	vadd.f32 v17, v16;
	v17 =	vmul.f32 v49, v18  }
0xe7: {  	v54 =	vmul.f32 v50, v43;
	v53 =	vadd.f32 v52, v20  }
0xe8: {  	v16 =	vadd.f32 v17, v16;
	v17 =	vmul.f32 v51, v43  }
0xe9: {  	v18 =	vadd.f32 v54, v53  }
0xea: {  	v16 =	vadd.f32 v17, v16  }
0xeb: {  	[tilespmem:$0xCA88] =	vst v18  }
0xec: {  	[tilespmem:$0xCC08] =	vst v16  }
0xed: {  	v16 =	vld [tilespmem:s0+$0xA80]  }
0xee: {  	v17 =	vld [tilespmem:s0+$0xA90]  }
0xef: {  	v18 =	vld [tilespmem:s0+$0xAA0]  }
0xf0: {  	v55 =	vld [tilespmem:s0+$0xAB0]  }
0xf1: {  	v56 =	vld [tilespmem:s0+$0x4A80]  }
0xf2: {  	v57 =	vld [tilespmem:s0+$0x4A90]  }
0xf3: {  	v58 =	vld [tilespmem:s0+$0x8A80]  }
0xf4: {  	v59 =	vld [tilespmem:s0+$0x8A90]  }
0xf5: {  	v60 =	vld [tilespmem:s0+$0x4AA0]  }
0xf6: {  	v61 =	vld [tilespmem:s0+$0x8AA0]  }
0xf7: {  	v62 =	vld [tilespmem:s0+$0x4AB0]  }
0xf8: {  	v63 =	vld [tilespmem:s0+$0x8AB0];
	v20 =	vmul.f32 v56, v16;
	v21 =	vmul.f32 v57, v17  }
0xf9: {  	v16 =	vmul.f32 v58, v16;
	v17 =	vmul.f32 v59, v17  }
0xfa: {  	v28 =	vmul.f32 v60, v18;
	v20 =	vadd.f32 v21, v20  }
0xfb: {  	v16 =	vadd.f32 v17, v16;
	v17 =	vmul.f32 v61, v18  }
0xfc: {  	v30 =	vmul.f32 v62, v55;
	v29 =	vadd.f32 v28, v20  }
0xfd: {  	v16 =	vadd.f32 v17, v16;
	v17 =	vmul.f32 v63, v55  }
0xfe: {  	v18 =	vadd.f32 v30, v29  }
0xff: {  	v16 =	vadd.f32 v17, v16  }
0x100: {  	[tilespmem:$0xCA99] =	vst v18  }
0x101: {  	[tilespmem:$0xCC19] =	vst v16  }
0x102: {  	v16 =	vld [tilespmem:s0+$0xB00]  }
0x103: {  	v17 =	vld [tilespmem:s0+$0xB10]  }
0x104: {  	v18 =	vld [tilespmem:s0+$0xB20]  }
0x105: {  	v31 =	vld [tilespmem:s0+$0xB30]  }
0x106: {  	v32 =	vld [tilespmem:s0+$0x4B00]  }
0x107: {  	v33 =	vld [tilespmem:s0+$0x4B10]  }
0x108: {  	v34 =	vld [tilespmem:s0+$0x8B00]  }
0x109: {  	v35 =	vld [tilespmem:s0+$0x8B10]  }
0x10a: {  	v36 =	vld [tilespmem:s0+$0x4B20]  }
0x10b: {  	v37 =	vld [tilespmem:s0+$0x8B20]  }
0x10c: {  	v38 =	vld [tilespmem:s0+$0x4B30]  }
0x10d: {  	v39 =	vld [tilespmem:s0+$0x8B30];
	v20 =	vmul.f32 v32, v16;
	v21 =	vmul.f32 v33, v17  }
0x10e: {  	v16 =	vmul.f32 v34, v16;
	v17 =	vmul.f32 v35, v17  }
0x10f: {  	v40 =	vmul.f32 v36, v18;
	v20 =	vadd.f32 v21, v20  }
0x110: {  	v16 =	vadd.f32 v17, v16;
	v17 =	vmul.f32 v37, v18  }
0x111: {  	v42 =	vmul.f32 v38, v31;
	v41 =	vadd.f32 v40, v20  }
0x112: {  	v16 =	vadd.f32 v17, v16;
	v17 =	vmul.f32 v39, v31  }
0x113: {  	v18 =	vadd.f32 v42, v41  }
0x114: {  	v16 =	vadd.f32 v17, v16  }
0x115: {  	[tilespmem:$0xCAAA] =	vst v18  }
0x116: {  	[tilespmem:$0xCC2A] =	vst v16  }
0x117: {  	v16 =	vld [tilespmem:s0+$0xB80]  }
0x118: {  	v17 =	vld [tilespmem:s0+$0xB90]  }
0x119: {  	v18 =	vld [tilespmem:s0+$0xBA0]  }
0x11a: {  	v43 =	vld [tilespmem:s0+$0xBB0]  }
0x11b: {  	v44 =	vld [tilespmem:s0+$0x4B80]  }
0x11c: {  	v45 =	vld [tilespmem:s0+$0x4B90]  }
0x11d: {  	v46 =	vld [tilespmem:s0+$0x8B80]  }
0x11e: {  	v47 =	vld [tilespmem:s0+$0x8B90]  }
0x11f: {  	v48 =	vld [tilespmem:s0+$0x4BA0]  }
0x120: {  	v49 =	vld [tilespmem:s0+$0x8BA0]  }
0x121: {  	v50 =	vld [tilespmem:s0+$0x4BB0]  }
0x122: {  	v51 =	vld [tilespmem:s0+$0x8BB0];
	v20 =	vmul.f32 v44, v16;
	v21 =	vmul.f32 v45, v17  }
0x123: {  	v16 =	vmul.f32 v46, v16;
	v17 =	vmul.f32 v47, v17  }
0x124: {  	v52 =	vmul.f32 v48, v18;
	v20 =	vadd.f32 v21, v20  }
0x125: {  	v16 =	vadd.f32 v17, v16;
	v17 =	vmul.f32 v49, v18  }
0x126: {  	v54 =	vmul.f32 v50, v43;
	v53 =	vadd.f32 v52, v20  }
0x127: {  	v16 =	vadd.f32 v17, v16;
	v17 =	vmul.f32 v51, v43  }
0x128: {  	v18 =	vadd.f32 v54, v53  }
0x129: {  	v16 =	vadd.f32 v17, v16  }
0x12a: {  	[tilespmem:$0xCABB] =	vst v18  }
0x12b: {  	[tilespmem:$0xCC3B] =	vst v16  }
0x12c: {  	v16 =	vld [tilespmem:s0+$0xC00]  }
0x12d: {  	v17 =	vld [tilespmem:s0+$0xC10]  }
0x12e: {  	v18 =	vld [tilespmem:s0+$0xC20]  }
0x12f: {  	v55 =	vld [tilespmem:s0+$0xC30]  }
0x130: {  	v56 =	vld [tilespmem:s0+$0x4C00]  }
0x131: {  	v57 =	vld [tilespmem:s0+$0x4C10]  }
0x132: {  	v58 =	vld [tilespmem:s0+$0x8C00]  }
0x133: {  	v59 =	vld [tilespmem:s0+$0x8C10]  }
0x134: {  	v60 =	vld [tilespmem:s0+$0x4C20]  }
0x135: {  	v61 =	vld [tilespmem:s0+$0x8C20]  }
0x136: {  	v62 =	vld [tilespmem:s0+$0x4C30]  }
0x137: {  	v63 =	vld [tilespmem:s0+$0x8C30];
	v20 =	vmul.f32 v56, v16;
	v21 =	vmul.f32 v57, v17  }
0x138: {  	v16 =	vmul.f32 v58, v16;
	v17 =	vmul.f32 v59, v17  }
0x139: {  	v30 =	vmul.f32 v60, v18;
	v20 =	vadd.f32 v21, v20  }
0x13a: {  	v16 =	vadd.f32 v17, v16;
	v17 =	vmul.f32 v61, v18  }
0x13b: {  	v32 =	vmul.f32 v62, v55;
	v31 =	vadd.f32 v30, v20  }
0x13c: {  	v16 =	vadd.f32 v17, v16;
	v17 =	vmul.f32 v63, v55  }
0x13d: {  	v18 =	vadd.f32 v32, v31  }
0x13e: {  	v16 =	vadd.f32 v17, v16  }
0x13f: {  	[tilespmem:$0xCACC] =	vst v18  }
0x140: {  	[tilespmem:$0xCC4C] =	vst v16  }
0x141: {  	v16 =	vld [tilespmem:s0+$0xC80]  }
0x142: {  	v17 =	vld [tilespmem:s0+$0xC90]  }
0x143: {  	v18 =	vld [tilespmem:s0+$0xCA0]  }
0x144: {  	v33 =	vld [tilespmem:s0+$0xCB0]  }
0x145: {  	v34 =	vld [tilespmem:s0+$0x4C80]  }
0x146: {  	v35 =	vld [tilespmem:s0+$0x4C90]  }
0x147: {  	v36 =	vld [tilespmem:s0+$0x8C80]  }
0x148: {  	v37 =	vld [tilespmem:s0+$0x8C90]  }
0x149: {  	v38 =	vld [tilespmem:s0+$0x4CA0]  }
0x14a: {  	v39 =	vld [tilespmem:s0+$0x8CA0]  }
0x14b: {  	v40 =	vld [tilespmem:s0+$0x4CB0]  }
0x14c: {  	v41 =	vld [tilespmem:s0+$0x8CB0];
	v20 =	vmul.f32 v34, v16;
	v21 =	vmul.f32 v35, v17  }
0x14d: {  	v16 =	vmul.f32 v36, v16;
	v17 =	vmul.f32 v37, v17  }
0x14e: {  	v42 =	vmul.f32 v38, v18;
	v20 =	vadd.f32 v21, v20  }
0x14f: {  	v16 =	vadd.f32 v17, v16;
	v17 =	vmul.f32 v39, v18  }
0x150: {  	v44 =	vmul.f32 v40, v33;
	v43 =	vadd.f32 v42, v20  }
0x151: {  	v16 =	vadd.f32 v17, v16;
	v17 =	vmul.f32 v41, v33  }
0x152: {  	v18 =	vadd.f32 v44, v43  }
0x153: {  	v16 =	vadd.f32 v17, v16  }
0x154: {  	[tilespmem:$0xCADD] =	vst v18  }
0x155: {  	[tilespmem:$0xCC5D] =	vst v16  }
0x156: {  	v16 =	vld [tilespmem:s0+$0xD00]  }
0x157: {  	v17 =	vld [tilespmem:s0+$0xD10]  }
0x158: {  	v18 =	vld [tilespmem:s0+$0xD20]  }
0x159: {  	v45 =	vld [tilespmem:s0+$0xD30]  }
0x15a: {  	v46 =	vld [tilespmem:s0+$0x4D00]  }
0x15b: {  	v47 =	vld [tilespmem:s0+$0x4D10]  }
0x15c: {  	v48 =	vld [tilespmem:s0+$0x8D00]  }
0x15d: {  	v49 =	vld [tilespmem:s0+$0x8D10]  }
0x15e: {  	v50 =	vld [tilespmem:s0+$0x4D20]  }
0x15f: {  	v51 =	vld [tilespmem:s0+$0x8D20]  }
0x160: {  	v52 =	vld [tilespmem:s0+$0x4D30]  }
0x161: {  	v53 =	vld [tilespmem:s0+$0x8D30];
	v20 =	vmul.f32 v46, v16;
	v21 =	vmul.f32 v47, v17  }
0x162: {  	v16 =	vmul.f32 v48, v16;
	v17 =	vmul.f32 v49, v17  }
0x163: {  	v54 =	vmul.f32 v50, v18;
	v20 =	vadd.f32 v21, v20  }
0x164: {  	v16 =	vadd.f32 v17, v16;
	v17 =	vmul.f32 v51, v18  }
0x165: {  	v56 =	vmul.f32 v52, v45;
	v55 =	vadd.f32 v54, v20  }
0x166: {  	v16 =	vadd.f32 v17, v16;
	v17 =	vmul.f32 v53, v45  }
0x167: {  	v18 =	vadd.f32 v56, v55  }
0x168: {  	v16 =	vadd.f32 v17, v16  }
0x169: {  	[tilespmem:$0xCAEE] =	vst v18  }
0x16a: {  	[tilespmem:$0xCC6E] =	vst v16  }
0x16b: {  	v16 =	vld [tilespmem:s0+$0xD80]  }
0x16c: {  	v17 =	vld [tilespmem:s0+$0xD90]  }
0x16d: {  	v18 =	vld [tilespmem:s0+$0xDA0]  }
0x16e: {  	v57 =	vld [tilespmem:s0+$0xDB0]  }
0x16f: {  	v58 =	vld [tilespmem:s0+$0x4D80]  }
0x170: {  	v59 =	vld [tilespmem:s0+$0x4D90]  }
0x171: {  	v60 =	vld [tilespmem:s0+$0x8D80]  }
0x172: {  	v61 =	vld [tilespmem:s0+$0x8D90]  }
0x173: {  	v62 =	vld [tilespmem:s0+$0x4DA0]  }
0x174: {  	v63 =	vld [tilespmem:s0+$0x8DA0]  }
0x175: {  	v30 =	vld [tilespmem:s0+$0x4DB0]  }
0x176: {  	v31 =	vld [tilespmem:s0+$0x8DB0];
	v20 =	vmul.f32 v58, v16;
	v21 =	vmul.f32 v59, v17  }
0x177: {  	v16 =	vmul.f32 v60, v16;
	v17 =	vmul.f32 v61, v17  }
0x178: {  	v32 =	vmul.f32 v62, v18;
	v20 =	vadd.f32 v21, v20  }
0x179: {  	v16 =	vadd.f32 v17, v16;
	v17 =	vmul.f32 v63, v18  }
0x17a: {  	v34 =	vmul.f32 v30, v57;
	v33 =	vadd.f32 v32, v20  }
0x17b: {  	v16 =	vadd.f32 v17, v16;
	v17 =	vmul.f32 v31, v57  }
0x17c: {  	v18 =	vadd.f32 v34, v33  }
0x17d: {  	v16 =	vadd.f32 v17, v16  }
0x17e: {  	[tilespmem:$0xCAFF] =	vst v18  }
0x17f: {  	[tilespmem:$0xCC7F] =	vst v16  }
0x180: {  	v16 =	vld.idx.msk [tilespmem:v0+s19+$0x0], $0xffff  }
0x181: {  	v17 =	vld.idx.msk [tilespmem:v0+s20+$0x0], $0xffff  }
0x182: {  	v18 =	vld.idx.msk [tilespmem:v1+s19+$0x0], $0xffff  }
0x183: {  	v35 =	vld.idx.msk [tilespmem:v1+s20+$0x0], $0xffff  }
0x184: {  	v36 =	vld.idx.msk [tilespmem:v2+s19+$0x0], $0xffff  }
0x185: {  	v37 =	vld.idx.msk [tilespmem:v2+s20+$0x0], $0xffff;
	v16 =	vadd.f32 $0.0e+00, v16  }
0x186: {  	v38 =	vld.idx.msk [tilespmem:v3+s19+$0x0], $0xffff;
	v17 =	vadd.f32 $0.0e+00, v17  }
0x187: {  	v39 =	vld.idx.msk [tilespmem:v3+s20+$0x0], $0xffff;
	v16 =	vadd.f32 v18, v16  }
0x188: {  	v40 =	vld.idx.msk [tilespmem:v4+s19+$0x0], $0xffff;
	v17 =	vadd.f32 v35, v17  }
0x189: {  	v41 =	vld.idx.msk [tilespmem:v4+s20+$0x0], $0xffff;
	v16 =	vadd.f32 v36, v16  }
0x18a: {  	v42 =	vld.idx.msk [tilespmem:v5+s19+$0x0], $0xffff;
	v17 =	vadd.f32 v37, v17  }
0x18b: {  	v43 =	vld.idx.msk [tilespmem:v5+s20+$0x0], $0xffff;
	v16 =	vadd.f32 v38, v16  }
0x18c: {  	v44 =	vld.idx.msk [tilespmem:v6+s19+$0x0], $0xffff;
	v17 =	vadd.f32 v39, v17  }
0x18d: {  	v45 =	vld.idx.msk [tilespmem:v6+s20+$0x0], $0xffff;
	v16 =	vadd.f32 v40, v16  }
0x18e: {  	v46 =	vld.idx.msk [tilespmem:v7+s19+$0x0], $0xffff;
	v17 =	vadd.f32 v41, v17  }
0x18f: {  	v47 =	vld.idx.msk [tilespmem:v7+s20+$0x0], $0xffff;
	v16 =	vadd.f32 v42, v16  }
0x190: {  	v48 =	vld.idx.msk [tilespmem:v8+s19+$0x0], $0xffff;
	v17 =	vadd.f32 v43, v17  }
0x191: {  	v49 =	vld.idx.msk [tilespmem:v8+s20+$0x0], $0xffff;
	v16 =	vadd.f32 v44, v16  }
0x192: {  	v50 =	vld.idx.msk [tilespmem:v9+s19+$0x0], $0xffff;
	v17 =	vadd.f32 v45, v17  }
0x193: {  	v51 =	vld.idx.msk [tilespmem:v9+s20+$0x0], $0xffff;
	v16 =	vadd.f32 v46, v16  }
0x194: {  	v52 =	vld.idx.msk [tilespmem:v10+s19+$0x0], $0xffff;
	v17 =	vadd.f32 v47, v17  }
0x195: {  	v53 =	vld.idx.msk [tilespmem:v10+s20+$0x0], $0xffff;
	v16 =	vadd.f32 v48, v16  }
0x196: {  	v54 =	vld.idx.msk [tilespmem:v11+s19+$0x0], $0xffff;
	v17 =	vadd.f32 v49, v17  }
0x197: {  	v55 =	vld.idx.msk [tilespmem:v11+s20+$0x0], $0xffff;
	v16 =	vadd.f32 v50, v16  }
0x198: {  	v56 =	vld.idx.msk [tilespmem:v12+s19+$0x0], $0xffff;
	v17 =	vadd.f32 v51, v17  }
0x199: {  	v57 =	vld.idx.msk [tilespmem:v12+s20+$0x0], $0xffff;
	v16 =	vadd.f32 v52, v16  }
0x19a: {  	v58 =	vld.idx.msk [tilespmem:v13+s19+$0x0], $0xffff;
	v17 =	vadd.f32 v53, v17  }
0x19b: {  	v59 =	vld.idx.msk [tilespmem:v13+s20+$0x0], $0xffff;
	v16 =	vadd.f32 v54, v16  }
0x19c: {  	v60 =	vld.idx.msk [tilespmem:v14+s19+$0x0], $0xffff;
	v17 =	vadd.f32 v55, v17  }
0x19d: {  	v61 =	vld.idx.msk [tilespmem:v14+s20+$0x0], $0xffff;
	v16 =	vadd.f32 v56, v16  }
0x19e: {  	v62 =	vld.idx.msk [tilespmem:v15+s19+$0x0], $0xffff;
	v17 =	vadd.f32 v57, v17  }
0x19f: {  	v63 =	vld.idx.msk [tilespmem:v15+s20+$0x0], $0xffff;
	v16 =	vadd.f32 v58, v16  }
0x1a0: {  	v17 =	vadd.f32 v59, v17  }
0x1a1: {  	p0 =	sne.s32 s29, $0xE000;
	v16 =	vadd.f32 v60, v16  }
.Ltmp0:
0x1a2: {  	v17 =	vadd.f32 v61, v17;
	(pc) =	sbr.rel @p0 .LBB2_3-.Ltmp0, $4  }
0x1a3: {  	v16 =	vadd.f32 v62, v16  }
0x1a4: {  	v17 =	vadd.f32 v63, v17  }
0x1a5: {  	[tilespmem:s31+$0x0] =	vst v16  }
0x1a6: {  	s29 =	sadd.s32 $0x2000, s29;
	s31 =	sadd.s32 $0x10, s31;
	[tilespmem:s30+$0x0] =	vst v17;
	s30 =	sadd.s32 $0x10, s30  }
0x1a7: {  	s28 =	sadd.s32 $0x1, s28  }
0x1a8: {  	p0 =	sne.s32 s28, $0x4  }
.Ltmp1:
0x1a9: {  	_ = 	snop;
	(pc) =	sbr.rel @p0 .LBB2_2-.Ltmp1, $2  }
0x1aa: {  	_ =	sdelay $0x2  }
0x1ab: {  	s26 =	sadd.s32 $0x80, s26;
	s25 =	sadd.s32 $0x80, s25  }
0x1ac: {  	[hbm4b:s8+s1] =	stream.linear.scatter [tilespmem:s21], [sflag:$0x3], $0x200, $0x38;
	[tilespmem:$0xCD00] =	vst v63  }
0x1ad: {  	s24 =	sadd.s32 $0x1, s24;
	_ =	swait.ge [sflag:s22], $0x200  }
0x1ae: {  	p0 =	sne.s32 s24, s10;
	[sflag:s22] =	ssyncset.done $0x0  }
.Ltmp2:
0x1af: {  	[sflag:s22] =	ssyncadd.s32 $0xFFFFFE00;
	(pc) =	sbr.rel @p0 .LBB2_1-.Ltmp2, $4  }
0x1b0: {  	[hbm4b:s9+s1] =	stream.linear.scatter [tilespmem:s23], [sflag:$0x3], $0x200, $0x38;
	[tilespmem:$0xCD00] =	vst v63  }
0x1b1: {  	_ =	swait.ge [sflag:s22], $0x200  }
0x1b2: {  	[sflag:s22] =	ssyncset.done $0x0  }
0x1b3: {  	[sflag:s22] =	ssyncadd.s32 $0xFFFFFE00  }
0x1b4: {  	_ =	sfence.sel $0x180000  }
0x1b5: {  	[bflag:$0x0] =	sbarrier.arrive $0xFFFF  }
0x1b6: {  	_ =	strace $0x90000047  }
0x1b7: {  	[bflag:$0x2] =	sbarrier.arrive $0xFFFF  }
0x1b8: {  	p0 =	sne.s32 s2, $0x0;
	s0 =	rddreg [dreg:$0x6]  }
0x1b9: {  	s0 =	sadd.s32 @!p0 $0x100000, s0  }
0x1ba: {  	[sflag:s0] =	ssyncadd.tile.s32 @!p0 $0x1;
	_ =	shalt  }
.Lfunc_end2:
_tile_overlayer_lowered:
.L_overlay_start_2:
0x1bb: {  	(tag) =	ssettag $0x2  }
0x1bc: {  	s0 =	rddreg [dreg:$0x0];
	s2 =	stileid.u32  }
0x1bd: {  	s1 =	rddreg [dreg:$0x1];
	p0 =	sne.s32 s2, $0x0  }
0x1be: {  	s3 =	rddreg [dreg:$0x2];
	[bflag:$0x3] =	sbarrier.arrive $0xFFFF;
	s2 =	simm.s32 @!p0 $0x1C03  }
0x1bf: {  	[timem:s3], [sflag:s2] =	dma.local @!p0 [hbm:s0], s1  }
0x1c0: {  	s0 =	simm.s32 @!p0 $0x3  }
0x1c1: {  	_ =	swait.ge @!p0 [sflag:s0], s1  }
0x1c2: {  	s1 =	ssub.s32 @!p0 $0x0, s1;
	[sflag:s0] =	ssyncset.done @!p0 $0x0  }
0x1c3: {  	[sflag:s0] =	ssyncadd.s32 @!p0 s1  }
0x1c4: {  	[bflag:$0x3] =	sbarrier.arrive $0xFFFF  }
0x1c5: {  	_ =	shalt  }

</sc_bundles>
